<compile_context>
chip_gen: v7x
topology: tpu7x:2x2x1
jax: 0.10.2.dev20260603
libtpu: 0.0.44.dev20260713+nightly
codegen_flags: <defaults>
</compile_context>

<pallas_src>
import functools

import jax
import jax.numpy as jnp
from jax import lax
from jax.experimental import pallas as pl
from jax.experimental.pallas import tpu as pltpu
from jax.experimental.pallas import tpu_sc as plsc

N_NODES = 10000
N_EDGES = 320000
DIM_IN = 128
LATENT = 64

NC = 2
NS = 16
L = 16
NW = NC * NS

K = 128
CHUNKS = -(-N_EDGES // (NW * K))
E_PAD = NW * K * CHUNKS
NPAD = 10240
STRIPE = NPAD // NS

_mesh = lambda: plsc.VectorSubcoreMesh(
    core_axis_name="c", subcore_axis_name="s", num_cores=NC, num_subcores=NS)


def _deg_body(dst_hbm, deg_out, idx_v, ones_v, zrow_v, deg_sh, sem):
    cid = lax.axis_index("c")
    sid = lax.axis_index("s")
    wid = cid * NS + sid
    pltpu.sync_copy(dst_hbm.at[wid], idx_v)
    one = jnp.ones((L,), jnp.float32)
    zero = jnp.zeros((L,), jnp.float32)
    for i in range(K // L):
        ones_v[pl.ds(i * L, L)] = one
        zrow_v[pl.ds(i * L, L)] = zero
    for r in range(STRIPE // K):
        pltpu.sync_copy(zrow_v, deg_sh.at[pl.ds(sid * STRIPE + r * K, K)])
    plsc.subcore_barrier()

    pltpu.async_copy(ones_v, deg_sh.at[idx_v.at[0]], sem, add=True)

    def dbody(j, carry):
        @pl.when(j + 1 < CHUNKS)
        def _():
            pltpu.async_copy(ones_v, deg_sh.at[idx_v.at[j + 1]], sem,
                             add=True)

        pltpu.make_async_copy(ones_v, deg_sh.at[idx_v.at[0]], sem).wait()
        return carry

    lax.fori_loop(0, CHUNKS, dbody, 0)
    plsc.subcore_barrier()
    pltpu.sync_copy(deg_sh.at[pl.ds(sid * STRIPE, STRIPE)],
                    deg_out.at[cid, pl.ds(sid * STRIPE, STRIPE)])


def _deg_call(dst3):
    kern = functools.partial(
        pl.kernel,
        out_type=jax.ShapeDtypeStruct((NC, NPAD), jnp.float32),
        mesh=_mesh(),
        scratch_types=[
            pltpu.VMEM((CHUNKS, K), jnp.int32),
            pltpu.VMEM((K,), jnp.float32),
            pltpu.VMEM((K,), jnp.float32),
            pltpu.VMEM_SHARED((NPAD,), jnp.float32),
            pltpu.SemaphoreType.DMA,
        ],
    )(_deg_body)
    return kern(dst3)


def _fold_body(x_ref, wg_ref, w1_ref, w3_ref, bg_ref, b1_ref, b3_ref,
               deg_ref, hs_ref, selfb_ref):
    cT = (((1,), (1,)), ((), ()))
    f32 = jnp.float32
    h = lax.dot_general(x_ref[...], wg_ref[...], cT, preferred_element_type=f32)
    h = lax.dot_general(h, w1_ref[...], cT, preferred_element_type=f32)
    h = lax.dot_general(h, w3_ref[...], cT, preferred_element_type=f32)
    bias = lax.dot_general(bg_ref[...], w1_ref[...], cT,
                           preferred_element_type=f32) + b1_ref[...]
    bias = lax.dot_general(bias, w3_ref[...], cT,
                           preferred_element_type=f32) + b3_ref[...]
    deg = deg_ref[:N_NODES, 0:1] + deg_ref[:N_NODES, 1:2] + 1.0
    dinv = lax.rsqrt(deg)
    hs_ref[:N_NODES, :] = h * dinv
    hs_ref[N_NODES:, :] = jnp.zeros((NPAD - N_NODES, LATENT), f32)
    selfb_ref[:N_NODES, :] = h * (dinv * dinv) + bias
    selfb_ref[N_NODES:, :] = jnp.zeros((NPAD - N_NODES, LATENT), f32)


def _fold_call(x, wg, w1, w3, bg, b1, b3, deg_t):
    out_shape = [
        jax.ShapeDtypeStruct((NPAD, LATENT), jnp.float32),
        jax.ShapeDtypeStruct((NPAD, LATENT), jnp.float32),
    ]
    return pl.pallas_call(_fold_body, out_shape=out_shape)(
        x, wg, w1, w3, bg, b1, b3, deg_t)


def _edge_body(src_hbm, dst_hbm, hs_hbm, acc_out,
               src_v, dste_v, rows0_v, rows1_v, hs_sh, acc_sh, sem0, sem1):
    cid = lax.axis_index("c")
    sid = lax.axis_index("s")
    wid = cid * NS + sid
    base = sid * STRIPE
    pltpu.sync_copy(src_hbm.at[wid], src_v)
    pltpu.sync_copy(dst_hbm.at[wid], dste_v)
    pltpu.sync_copy(hs_hbm.at[pl.ds(base, STRIPE)],
                    hs_sh.at[pl.ds(base, STRIPE)])
    zero = jnp.zeros((L,), jnp.float32)

    def zrow(i, carry):
        for c in range(LATENT // L):
            rows0_v[i, pl.ds(c * L, L)] = zero
        return carry

    lax.fori_loop(0, K, zrow, 0)
    for r in range(STRIPE // K):
        pltpu.sync_copy(rows0_v, acc_sh.at[pl.ds(base + r * K, K)])
    plsc.subcore_barrier()

    pltpu.async_copy(hs_sh.at[src_v.at[0]], rows0_v, sem0)

    def body(i, carry):
        j0 = 2 * i
        pltpu.async_copy(hs_sh.at[src_v.at[j0 + 1]], rows1_v, sem1)
        pltpu.make_async_copy(hs_sh.at[src_v.at[j0]], rows0_v, sem0).wait()
        pltpu.sync_copy(rows0_v, acc_sh.at[dste_v.at[j0]], add=True)

        @pl.when(j0 + 2 < CHUNKS)
        def _():
            pltpu.async_copy(hs_sh.at[src_v.at[j0 + 2]], rows0_v, sem0)

        pltpu.make_async_copy(hs_sh.at[src_v.at[j0]], rows1_v, sem1).wait()
        pltpu.sync_copy(rows1_v, acc_sh.at[dste_v.at[j0 + 1]], add=True)
        return carry

    lax.fori_loop(0, CHUNKS // 2, body, 0)

    if CHUNKS % 2 == 1:
        j = CHUNKS - 1
        pltpu.make_async_copy(hs_sh.at[src_v.at[j]], rows0_v, sem0).wait()
        pltpu.sync_copy(rows0_v, acc_sh.at[dste_v.at[j]], add=True)

    plsc.subcore_barrier()
    pltpu.sync_copy(acc_sh.at[pl.ds(base, STRIPE)],
                    acc_out.at[cid, pl.ds(base, STRIPE)])


def _edge_call(src3, dst3, hs):
    kern = functools.partial(
        pl.kernel,
        out_type=jax.ShapeDtypeStruct((NC, NPAD, LATENT), jnp.float32),
        mesh=_mesh(),
        scratch_types=[
            pltpu.VMEM((CHUNKS, K), jnp.int32),
            pltpu.VMEM((CHUNKS, K), jnp.int32),
            pltpu.VMEM((K, LATENT), jnp.float32),
            pltpu.VMEM((K, LATENT), jnp.float32),
            pltpu.VMEM_SHARED((NPAD, LATENT), jnp.float32),
            pltpu.VMEM_SHARED((NPAD, LATENT), jnp.float32),
            pltpu.SemaphoreType.DMA,
            pltpu.SemaphoreType.DMA,
        ],
        compiler_params=pltpu.CompilerParams(use_tc_tiling_on_sc=False),
    )(_edge_body)
    return kern(src3, dst3, hs)


def _combine_body(acc_ref, deg_ref, selfb_ref, out_ref):
    deg = deg_ref[:N_NODES, 0:1] + deg_ref[:N_NODES, 1:2] + 1.0
    dinv = lax.rsqrt(deg)
    a = acc_ref[0, :N_NODES] + acc_ref[1, :N_NODES]
    out_ref[...] = a * dinv + selfb_ref[:N_NODES]


def _combine_call(acc, deg_t, selfb):
    return pl.pallas_call(
        _combine_body,
        out_shape=jax.ShapeDtypeStruct((N_NODES, LATENT), jnp.float32),
    )(acc, deg_t, selfb)


def kernel(x, edge_index, batch, W_gcn, b_gcn, W1, b1, W3, b3):
    del batch
    pad_e = E_PAD - N_EDGES
    src3 = jnp.pad(edge_index[0], (0, pad_e),
                   constant_values=N_NODES).reshape(NW, CHUNKS, K)
    dst3 = jnp.pad(edge_index[1], (0, pad_e),
                   constant_values=N_NODES).reshape(NW, CHUNKS, K)

    deg = _deg_call(dst3)
    deg_t = deg.T
    hs, selfb = _fold_call(x, W_gcn, W1, W3, b_gcn.reshape(1, DIM_IN),
                           b1.reshape(1, LATENT), b3.reshape(1, LATENT),
                           deg_t)
    acc = _edge_call(src3, dst3, hs)
    return _combine_call(acc, deg_t, selfb)

# --- scband reference (transcript-rebuilt; emitter-appended) ---
"""Pipeline reference for scband-variational-encoder-16157666968392 (READ-ONLY COPY).

The authoritative reference and input builder live on the scoring server;
editing this copy changes nothing except your own understanding.
"""

import jax, jax.numpy as jnp
import numpy as np

N_NODES = 10000
N_EDGES = 320000
DIM_IN = 128
DIM_H = 128
LATENT = 64


def setup_inputs(seed: int = 0) -> dict:
    key = jax.random.key(seed)
    ks = jax.random.split(key, 9)
    x = jax.random.normal(ks[0], (N_NODES, DIM_IN), dtype=jnp.float32)
    edge_index = jax.random.randint(ks[1], (2, N_EDGES), 0, N_NODES, dtype=jnp.int32)
    batch = jnp.zeros((N_NODES,), dtype=jnp.int32)
    # GCNConv params (PyG: lin weight [dim_h, dim_in], bias [dim_h])
    W_gcn = jax.random.normal(ks[2], (DIM_H, DIM_IN), dtype=jnp.float32) * (1.0 / np.sqrt(DIM_IN))
    b_gcn = jnp.zeros((DIM_H,), dtype=jnp.float32)
    W1 = jax.random.normal(ks[3], (LATENT, DIM_H), dtype=jnp.float32) * (1.0 / np.sqrt(DIM_H))
    b1 = jax.random.normal(ks[4], (LATENT,), dtype=jnp.float32) * 0.01
    W3 = jax.random.normal(ks[5], (LATENT, LATENT), dtype=jnp.float32) * (1.0 / np.sqrt(LATENT))
    b3 = jax.random.normal(ks[6], (LATENT,), dtype=jnp.float32) * 0.01
    return {"x": x, "edge_index": edge_index, "batch": batch,
            "W_gcn": W_gcn, "b_gcn": b_gcn, "W1": W1, "b1": b1, "W3": W3, "b3": b3}


def _gcn_conv(x, edge_index, W, b):
    N = x.shape[0]
    loop = jnp.arange(N, dtype=edge_index.dtype)
    src = jnp.concatenate([edge_index[0], loop])
    dst = jnp.concatenate([edge_index[1], loop])
    # symmetric normalization with self-loops (PyG GCNConv default)
    deg = jax.ops.segment_sum(jnp.ones_like(src, dtype=x.dtype), dst, num_segments=N)
    dinv = jnp.where(deg > 0, deg ** -0.5, 0.0)
    norm = dinv[src] * dinv[dst]
    h = x @ W.T                      # linear transform first (PyG order)
    msg = h[src] * norm[:, None]     # gather + scale
    agg = jax.ops.segment_sum(msg, dst, num_segments=N)  # scatter-add
    return agg + b


def reference(x, edge_index, batch, W_gcn, b_gcn, W1, b1, W3, b3):
    g1 = _gcn_conv(x, edge_index, W_gcn, b_gcn)
    l1 = g1 @ W1.T + b1
    l3 = l1 @ W3.T + b3
    return l3

if __name__ == "__main__":
    import jax
    _d = setup_inputs()
    print(jax.jit(kernel)(*tuple(_d.values())))

</pallas_src>

<mosaic_0001>
#map = affine_map<(d0, d1) -> (0, 0, 0)>
#map1 = affine_map<(d0, d1) -> (0, 0)>
module attributes {stable_mosaic.version = 14 : i64} {
  func.func @_deg_body(%arg0: i32, %arg1: i32, %arg2: memref<32x79x128xi32, #tpu.memory_space<hbm>>, %arg3: memref<2x10240xf32, #tpu.memory_space<hbm>>, %arg4: memref<79x128xi32, #tpu.memory_space<vmem>>, %arg5: memref<128xf32, #tpu.memory_space<vmem>>, %arg6: memref<128xf32, #tpu.memory_space<vmem>>, %arg7: memref<10240xf32, #tpu.memory_space<vmem_shared>>, %arg8: memref<!tpu.dma_semaphore, #tpu.memory_space<semaphore_mem>>) attributes {dimension_semantics = [#tpu.dimension_semantics<core_parallel>, #tpu.dimension_semantics<subcore_parallel>], iteration_bounds = array<i64: 2, 16>, scalar_prefetch = 0 : i64, scratch_operands = 5 : i64, tpu.core_type = #tpu.core_type<sc_vector_subcore>, window_params = [{transform_indices = #map}, {transform_indices = #map1}]} {
    %mul3A = arith.constant 16 : i32
    %mul3A_0 = arith.muli %arg0, %mul3A : i32
    %add3A = arith.addi %mul3A_0, %arg1 : i32
    "tpu.region"() ({
      %run_scoped3A = tpu.sem_alloc : memref<!tpu.dma_semaphore, #tpu.memory_space<semaphore_mem>>
      %dma_start3A_102 = arith.constant 0 : i32
      %dma_start3A_103 = arith.constant 0 : i32
      %dma_start3A_104 = tpu.memref_slice %arg2[%add3A, %dma_start3A_102, %dma_start3A_103] : memref<32x79x128xi32, #tpu.memory_space<hbm>> -> memref<1x79x128xi32, #tpu.memory_space<hbm>>
      %dma_start3A_105 = tpu.memref_squeeze %dma_start3A_104 : memref<1x79x128xi32, #tpu.memory_space<hbm>> -> memref<79x128xi32, #tpu.memory_space<hbm>>
      %dma_start3A_106 = arith.constant 0 : i32
      %dma_start3A_107 = arith.constant 0 : i32
      %dma_start3A_108 = tpu.memref_slice %arg2[%add3A, %dma_start3A_106, %dma_start3A_107] : memref<32x79x128xi32, #tpu.memory_space<hbm>> -> memref<1x79x128xi32, #tpu.memory_space<hbm>>
      %dma_start3A_109 = tpu.memref_squeeze %dma_start3A_108 : memref<1x79x128xi32, #tpu.memory_space<hbm>> -> memref<79x128xi32, #tpu.memory_space<hbm>>
      tpu.enqueue_dma source(%dma_start3A_109 : memref<79x128xi32, #tpu.memory_space<hbm>>) target(%arg4 : memref<79x128xi32, #tpu.memory_space<vmem>>) target_semaphore(%run_scoped3A : memref<!tpu.dma_semaphore, #tpu.memory_space<semaphore_mem>>)
      %dma_wait3A = arith.constant 0 : i32
      %dma_wait3A_110 = arith.constant 0 : i32
      %dma_wait3A_111 = tpu.memref_slice %arg2[%add3A, %dma_wait3A, %dma_wait3A_110] : memref<32x79x128xi32, #tpu.memory_space<hbm>> -> memref<1x79x128xi32, #tpu.memory_space<hbm>>
      %dma_wait3A_112 = tpu.memref_squeeze %dma_wait3A_111 : memref<1x79x128xi32, #tpu.memory_space<hbm>> -> memref<79x128xi32, #tpu.memory_space<hbm>>
      %dma_wait3A_113 = arith.constant 0 : i32
      %dma_wait3A_114 = arith.constant 0 : i32
      %dma_wait3A_115 = tpu.memref_slice %arg2[%add3A, %dma_wait3A_113, %dma_wait3A_114] : memref<32x79x128xi32, #tpu.memory_space<hbm>> -> memref<1x79x128xi32, #tpu.memory_space<hbm>>
      %dma_wait3A_116 = tpu.memref_squeeze %dma_wait3A_115 : memref<1x79x128xi32, #tpu.memory_space<hbm>> -> memref<79x128xi32, #tpu.memory_space<hbm>>
      tpu.wait_dma2 semaphore(%run_scoped3A : memref<!tpu.dma_semaphore, #tpu.memory_space<semaphore_mem>>) src(%dma_wait3A_116 : memref<79x128xi32, #tpu.memory_space<hbm>>) dst(%arg4 : memref<79x128xi32, #tpu.memory_space<vmem>>)
      tpu.yield
    }) : () -> ()
    %broadcast_in_dim3A = arith.constant 1.000000e+00 : f32
    %broadcast_in_dim3A_1 = vector.broadcast %broadcast_in_dim3A : f32 to vector<16xf32>
    %broadcast_in_dim3A_2 = arith.constant 0.000000e+00 : f32
    %broadcast_in_dim3A_3 = vector.broadcast %broadcast_in_dim3A_2 : f32 to vector<16xf32>
    %swap3A = arith.constant 0 : index
    %swap3A_4 = tpu.vector_load %arg5[%swap3A] {strides = array<i32>} : memref<128xf32, #tpu.memory_space<vmem>>, vector<16xf32>,
    %swap3A_5 = vector.shape_cast %swap3A_4 : vector<16xf32> to vector<16xf32>
    %swap3A_6 = vector.shape_cast %broadcast_in_dim3A_1 : vector<16xf32> to vector<16xf32>
    tpu.vector_store %arg5[%swap3A], %swap3A_6 {strides = array<i32>} : memref<128xf32, #tpu.memory_space<vmem>>, vector<16xf32>,
    %swap3A_7 = arith.constant 0 : index
    %swap3A_8 = tpu.vector_load %arg6[%swap3A_7] {strides = array<i32>} : memref<128xf32, #tpu.memory_space<vmem>>, vector<16xf32>,
    %swap3A_9 = vector.shape_cast %swap3A_8 : vector<16xf32> to vector<16xf32>
    %swap3A_10 = vector.shape_cast %broadcast_in_dim3A_3 : vector<16xf32> to vector<16xf32>
    tpu.vector_store %arg6[%swap3A_7], %swap3A_10 {strides = array<i32>} : memref<128xf32, #tpu.memory_space<vmem>>, vector<16xf32>,
    %swap3A_11 = arith.constant 16 : index
    %swap3A_12 = tpu.vector_load %arg5[%swap3A_11] {strides = array<i32>} : memref<128xf32, #tpu.memory_space<vmem>>, vector<16xf32>,
    %swap3A_13 = vector.shape_cast %swap3A_12 : vector<16xf32> to vector<16xf32>
    %swap3A_14 = vector.shape_cast %broadcast_in_dim3A_1 : vector<16xf32> to vector<16xf32>
    tpu.vector_store %arg5[%swap3A_11], %swap3A_14 {strides = array<i32>} : memref<128xf32, #tpu.memory_space<vmem>>, vector<16xf32>,
    %swap3A_15 = arith.constant 16 : index
    %swap3A_16 = tpu.vector_load %arg6[%swap3A_15] {strides = array<i32>} : memref<128xf32, #tpu.memory_space<vmem>>, vector<16xf32>,
    %swap3A_17 = vector.shape_cast %swap3A_16 : vector<16xf32> to vector<16xf32>
    %swap3A_18 = vector.shape_cast %broadcast_in_dim3A_3 : vector<16xf32> to vector<16xf32>
    tpu.vector_store %arg6[%swap3A_15], %swap3A_18 {strides = array<i32>} : memref<128xf32, #tpu.memory_space<vmem>>, vector<16xf32>,
    %swap3A_19 = arith.constant 32 : index
    %swap3A_20 = tpu.vector_load %arg5[%swap3A_19] {strides = array<i32>} : memref<128xf32, #tpu.memory_space<vmem>>, vector<16xf32>,
    %swap3A_21 = vector.shape_cast %swap3A_20 : vector<16xf32> to vector<16xf32>
    %swap3A_22 = vector.shape_cast %broadcast_in_dim3A_1 : vector<16xf32> to vector<16xf32>
    tpu.vector_store %arg5[%swap3A_19], %swap3A_22 {strides = array<i32>} : memref<128xf32, #tpu.memory_space<vmem>>, vector<16xf32>,
    %swap3A_23 = arith.constant 32 : index
    %swap3A_24 = tpu.vector_load %arg6[%swap3A_23] {strides = array<i32>} : memref<128xf32, #tpu.memory_space<vmem>>, vector<16xf32>,
    %swap3A_25 = vector.shape_cast %swap3A_24 : vector<16xf32> to vector<16xf32>
    %swap3A_26 = vector.shape_cast %broadcast_in_dim3A_3 : vector<16xf32> to vector<16xf32>
    tpu.vector_store %arg6[%swap3A_23], %swap3A_26 {strides = array<i32>} : memref<128xf32, #tpu.memory_space<vmem>>, vector<16xf32>,
    %swap3A_27 = arith.constant 48 : index
    %swap3A_28 = tpu.vector_load %arg5[%swap3A_27] {strides = array<i32>} : memref<128xf32, #tpu.memory_space<vmem>>, vector<16xf32>,
    %swap3A_29 = vector.shape_cast %swap3A_28 : vector<16xf32> to vector<16xf32>
    %swap3A_30 = vector.shape_cast %broadcast_in_dim3A_1 : vector<16xf32> to vector<16xf32>
    tpu.vector_store %arg5[%swap3A_27], %swap3A_30 {strides = array<i32>} : memref<128xf32, #tpu.memory_space<vmem>>, vector<16xf32>,
    %swap3A_31 = arith.constant 48 : index
    %swap3A_32 = tpu.vector_load %arg6[%swap3A_31] {strides = array<i32>} : memref<128xf32, #tpu.memory_space<vmem>>, vector<16xf32>,
    %swap3A_33 = vector.shape_cast %swap3A_32 : vector<16xf32> to vector<16xf32>
    %swap3A_34 = vector.shape_cast %broadcast_in_dim3A_3 : vector<16xf32> to vector<16xf32>
    tpu.vector_store %arg6[%swap3A_31], %swap3A_34 {strides = array<i32>} : memref<128xf32, #tpu.memory_space<vmem>>, vector<16xf32>,
    %swap3A_35 = arith.constant 64 : index
    %swap3A_36 = tpu.vector_load %arg5[%swap3A_35] {strides = array<i32>} : memref<128xf32, #tpu.memory_space<vmem>>, vector<16xf32>,
    %swap3A_37 = vector.shape_cast %swap3A_36 : vector<16xf32> to vector<16xf32>
    %swap3A_38 = vector.shape_cast %broadcast_in_dim3A_1 : vector<16xf32> to vector<16xf32>
    tpu.vector_store %arg5[%swap3A_35], %swap3A_38 {strides = array<i32>} : memref<128xf32, #tpu.memory_space<vmem>>, vector<16xf32>,
    %swap3A_39 = arith.constant 64 : index
    %swap3A_40 = tpu.vector_load %arg6[%swap3A_39] {strides = array<i32>} : memref<128xf32, #tpu.memory_space<vmem>>, vector<16xf32>,
    %swap3A_41 = vector.shape_cast %swap3A_40 : vector<16xf32> to vector<16xf32>
    %swap3A_42 = vector.shape_cast %broadcast_in_dim3A_3 : vector<16xf32> to vector<16xf32>
    tpu.vector_store %arg6[%swap3A_39], %swap3A_42 {strides = array<i32>} : memref<128xf32, #tpu.memory_space<vmem>>, vector<16xf32>,
    %swap3A_43 = arith.constant 80 : index
    %swap3A_44 = tpu.vector_load %arg5[%swap3A_43] {strides = array<i32>} : memref<128xf32, #tpu.memory_space<vmem>>, vector<16xf32>,
    %swap3A_45 = vector.shape_cast %swap3A_44 : vector<16xf32> to vector<16xf32>
    %swap3A_46 = vector.shape_cast %broadcast_in_dim3A_1 : vector<16xf32> to vector<16xf32>
    tpu.vector_store %arg5[%swap3A_43], %swap3A_46 {strides = array<i32>} : memref<128xf32, #tpu.memory_space<vmem>>, vector<16xf32>,
    %swap3A_47 = arith.constant 80 : index
    %swap3A_48 = tpu.vector_load %arg6[%swap3A_47] {strides = array<i32>} : memref<128xf32, #tpu.memory_space<vmem>>, vector<16xf32>,
    %swap3A_49 = vector.shape_cast %swap3A_48 : vector<16xf32> to vector<16xf32>
    %swap3A_50 = vector.shape_cast %broadcast_in_dim3A_3 : vector<16xf32> to vector<16xf32>
    tpu.vector_store %arg6[%swap3A_47], %swap3A_50 {strides = array<i32>} : memref<128xf32, #tpu.memory_space<vmem>>, vector<16xf32>,
    %swap3A_51 = arith.constant 96 : index
    %swap3A_52 = tpu.vector_load %arg5[%swap3A_51] {strides = array<i32>} : memref<128xf32, #tpu.memory_space<vmem>>, vector<16xf32>,
    %swap3A_53 = vector.shape_cast %swap3A_52 : vector<16xf32> to vector<16xf32>
    %swap3A_54 = vector.shape_cast %broadcast_in_dim3A_1 : vector<16xf32> to vector<16xf32>
    tpu.vector_store %arg5[%swap3A_51], %swap3A_54 {strides = array<i32>} : memref<128xf32, #tpu.memory_space<vmem>>, vector<16xf32>,
    %swap3A_55 = arith.constant 96 : index
    %swap3A_56 = tpu.vector_load %arg6[%swap3A_55] {strides = array<i32>} : memref<128xf32, #tpu.memory_space<vmem>>, vector<16xf32>,
    %swap3A_57 = vector.shape_cast %swap3A_56 : vector<16xf32> to vector<16xf32>
    %swap3A_58 = vector.shape_cast %broadcast_in_dim3A_3 : vector<16xf32> to vector<16xf32>
    tpu.vector_store %arg6[%swap3A_55], %swap3A_58 {strides = array<i32>} : memref<128xf32, #tpu.memory_space<vmem>>, vector<16xf32>,
    %swap3A_59 = arith.constant 112 : index
    %swap3A_60 = tpu.vector_load %arg5[%swap3A_59] {strides = array<i32>} : memref<128xf32, #tpu.memory_space<vmem>>, vector<16xf32>,
    %swap3A_61 = vector.shape_cast %swap3A_60 : vector<16xf32> to vector<16xf32>
    %swap3A_62 = vector.shape_cast %broadcast_in_dim3A_1 : vector<16xf32> to vector<16xf32>
    tpu.vector_store %arg5[%swap3A_59], %swap3A_62 {strides = array<i32>} : memref<128xf32, #tpu.memory_space<vmem>>, vector<16xf32>,
    %swap3A_63 = arith.constant 112 : index
    %swap3A_64 = tpu.vector_load %arg6[%swap3A_63] {strides = array<i32>} : memref<128xf32, #tpu.memory_space<vmem>>, vector<16xf32>,
    %swap3A_65 = vector.shape_cast %swap3A_64 : vector<16xf32> to vector<16xf32>
    %swap3A_66 = vector.shape_cast %broadcast_in_dim3A_3 : vector<16xf32> to vector<16xf32>
    tpu.vector_store %arg6[%swap3A_63], %swap3A_66 {strides = array<i32>} : memref<128xf32, #tpu.memory_space<vmem>>, vector<16xf32>,
    %mul3A_67 = arith.constant 640 : i32
    %mul3A_68 = arith.muli %arg1, %mul3A_67 : i32
    %add3A_69 = arith.constant 0 : i32
    %add3A_70 = arith.addi %mul3A_68, %add3A_69 : i32
    "tpu.region"() ({
      %run_scoped3A = tpu.sem_alloc : memref<!tpu.dma_semaphore, #tpu.memory_space<semaphore_mem>>
      %dma_start3A_102 = tpu.memref_slice %arg7[%add3A_70] : memref<10240xf32, #tpu.memory_space<vmem_shared>> -> memref<128xf32, #tpu.memory_space<vmem_shared>>
      %dma_start3A_103 = tpu.memref_slice %arg7[%add3A_70] : memref<10240xf32, #tpu.memory_space<vmem_shared>> -> memref<128xf32, #tpu.memory_space<vmem_shared>>
      tpu.enqueue_dma source(%arg6 : memref<128xf32, #tpu.memory_space<vmem>>) target(%dma_start3A_103 : memref<128xf32, #tpu.memory_space<vmem_shared>>) target_semaphore(%run_scoped3A : memref<!tpu.dma_semaphore, #tpu.memory_space<semaphore_mem>>)
      %dma_wait3A = tpu.memref_slice %arg7[%add3A_70] : memref<10240xf32, #tpu.memory_space<vmem_shared>> -> memref<128xf32, #tpu.memory_space<vmem_shared>>
      %dma_wait3A_104 = tpu.memref_slice %arg7[%add3A_70] : memref<10240xf32, #tpu.memory_space<vmem_shared>> -> memref<128xf32, #tpu.memory_space<vmem_shared>>
      tpu.wait_dma2 semaphore(%run_scoped3A : memref<!tpu.dma_semaphore, #tpu.memory_space<semaphore_mem>>) src(%arg6 : memref<128xf32, #tpu.memory_space<vmem>>) dst(%dma_wait3A_104 : memref<128xf32, #tpu.memory_space<vmem_shared>>)
      tpu.yield
    }) : () -> ()
    %mul3A_71 = arith.constant 640 : i32
    %mul3A_72 = arith.muli %arg1, %mul3A_71 : i32
    %add3A_73 = arith.constant 128 : i32
    %add3A_74 = arith.addi %mul3A_72, %add3A_73 : i32
    "tpu.region"() ({
      %run_scoped3A = tpu.sem_alloc : memref<!tpu.dma_semaphore, #tpu.memory_space<semaphore_mem>>
      %dma_start3A_102 = tpu.memref_slice %arg7[%add3A_74] : memref<10240xf32, #tpu.memory_space<vmem_shared>> -> memref<128xf32, #tpu.memory_space<vmem_shared>>
      %dma_start3A_103 = tpu.memref_slice %arg7[%add3A_74] : memref<10240xf32, #tpu.memory_space<vmem_shared>> -> memref<128xf32, #tpu.memory_space<vmem_shared>>
      tpu.enqueue_dma source(%arg6 : memref<128xf32, #tpu.memory_space<vmem>>) target(%dma_start3A_103 : memref<128xf32, #tpu.memory_space<vmem_shared>>) target_semaphore(%run_scoped3A : memref<!tpu.dma_semaphore, #tpu.memory_space<semaphore_mem>>)
      %dma_wait3A = tpu.memref_slice %arg7[%add3A_74] : memref<10240xf32, #tpu.memory_space<vmem_shared>> -> memref<128xf32, #tpu.memory_space<vmem_shared>>
      %dma_wait3A_104 = tpu.memref_slice %arg7[%add3A_74] : memref<10240xf32, #tpu.memory_space<vmem_shared>> -> memref<128xf32, #tpu.memory_space<vmem_shared>>
      tpu.wait_dma2 semaphore(%run_scoped3A : memref<!tpu.dma_semaphore, #tpu.memory_space<semaphore_mem>>) src(%arg6 : memref<128xf32, #tpu.memory_space<vmem>>) dst(%dma_wait3A_104 : memref<128xf32, #tpu.memory_space<vmem_shared>>)
      tpu.yield
    }) : () -> ()
    %mul3A_75 = arith.constant 640 : i32
    %mul3A_76 = arith.muli %arg1, %mul3A_75 : i32
    %add3A_77 = arith.constant 256 : i32
    %add3A_78 = arith.addi %mul3A_76, %add3A_77 : i32
    "tpu.region"() ({
      %run_scoped3A = tpu.sem_alloc : memref<!tpu.dma_semaphore, #tpu.memory_space<semaphore_mem>>
      %dma_start3A_102 = tpu.memref_slice %arg7[%add3A_78] : memref<10240xf32, #tpu.memory_space<vmem_shared>> -> memref<128xf32, #tpu.memory_space<vmem_shared>>
      %dma_start3A_103 = tpu.memref_slice %arg7[%add3A_78] : memref<10240xf32, #tpu.memory_space<vmem_shared>> -> memref<128xf32, #tpu.memory_space<vmem_shared>>
      tpu.enqueue_dma source(%arg6 : memref<128xf32, #tpu.memory_space<vmem>>) target(%dma_start3A_103 : memref<128xf32, #tpu.memory_space<vmem_shared>>) target_semaphore(%run_scoped3A : memref<!tpu.dma_semaphore, #tpu.memory_space<semaphore_mem>>)
      %dma_wait3A = tpu.memref_slice %arg7[%add3A_78] : memref<10240xf32, #tpu.memory_space<vmem_shared>> -> memref<128xf32, #tpu.memory_space<vmem_shared>>
      %dma_wait3A_104 = tpu.memref_slice %arg7[%add3A_78] : memref<10240xf32, #tpu.memory_space<vmem_shared>> -> memref<128xf32, #tpu.memory_space<vmem_shared>>
      tpu.wait_dma2 semaphore(%run_scoped3A : memref<!tpu.dma_semaphore, #tpu.memory_space<semaphore_mem>>) src(%arg6 : memref<128xf32, #tpu.memory_space<vmem>>) dst(%dma_wait3A_104 : memref<128xf32, #tpu.memory_space<vmem_shared>>)
      tpu.yield
    }) : () -> ()
    %mul3A_79 = arith.constant 640 : i32
    %mul3A_80 = arith.muli %arg1, %mul3A_79 : i32
    %add3A_81 = arith.constant 384 : i32
    %add3A_82 = arith.addi %mul3A_80, %add3A_81 : i32
    "tpu.region"() ({
      %run_scoped3A = tpu.sem_alloc : memref<!tpu.dma_semaphore, #tpu.memory_space<semaphore_mem>>
      %dma_start3A_102 = tpu.memref_slice %arg7[%add3A_82] : memref<10240xf32, #tpu.memory_space<vmem_shared>> -> memref<128xf32, #tpu.memory_space<vmem_shared>>
      %dma_start3A_103 = tpu.memref_slice %arg7[%add3A_82] : memref<10240xf32, #tpu.memory_space<vmem_shared>> -> memref<128xf32, #tpu.memory_space<vmem_shared>>
      tpu.enqueue_dma source(%arg6 : memref<128xf32, #tpu.memory_space<vmem>>) target(%dma_start3A_103 : memref<128xf32, #tpu.memory_space<vmem_shared>>) target_semaphore(%run_scoped3A : memref<!tpu.dma_semaphore, #tpu.memory_space<semaphore_mem>>)
      %dma_wait3A = tpu.memref_slice %arg7[%add3A_82] : memref<10240xf32, #tpu.memory_space<vmem_shared>> -> memref<128xf32, #tpu.memory_space<vmem_shared>>
      %dma_wait3A_104 = tpu.memref_slice %arg7[%add3A_82] : memref<10240xf32, #tpu.memory_space<vmem_shared>> -> memref<128xf32, #tpu.memory_space<vmem_shared>>
      tpu.wait_dma2 semaphore(%run_scoped3A : memref<!tpu.dma_semaphore, #tpu.memory_space<semaphore_mem>>) src(%arg6 : memref<128xf32, #tpu.memory_space<vmem>>) dst(%dma_wait3A_104 : memref<128xf32, #tpu.memory_space<vmem_shared>>)
      tpu.yield
    }) : () -> ()
    %mul3A_83 = arith.constant 640 : i32
    %mul3A_84 = arith.muli %arg1, %mul3A_83 : i32
    %add3A_85 = arith.constant 512 : i32
    %add3A_86 = arith.addi %mul3A_84, %add3A_85 : i32
    "tpu.region"() ({
      %run_scoped3A = tpu.sem_alloc : memref<!tpu.dma_semaphore, #tpu.memory_space<semaphore_mem>>
      %dma_start3A_102 = tpu.memref_slice %arg7[%add3A_86] : memref<10240xf32, #tpu.memory_space<vmem_shared>> -> memref<128xf32, #tpu.memory_space<vmem_shared>>
      %dma_start3A_103 = tpu.memref_slice %arg7[%add3A_86] : memref<10240xf32, #tpu.memory_space<vmem_shared>> -> memref<128xf32, #tpu.memory_space<vmem_shared>>
      tpu.enqueue_dma source(%arg6 : memref<128xf32, #tpu.memory_space<vmem>>) target(%dma_start3A_103 : memref<128xf32, #tpu.memory_space<vmem_shared>>) target_semaphore(%run_scoped3A : memref<!tpu.dma_semaphore, #tpu.memory_space<semaphore_mem>>)
      %dma_wait3A = tpu.memref_slice %arg7[%add3A_86] : memref<10240xf32, #tpu.memory_space<vmem_shared>> -> memref<128xf32, #tpu.memory_space<vmem_shared>>
      %dma_wait3A_104 = tpu.memref_slice %arg7[%add3A_86] : memref<10240xf32, #tpu.memory_space<vmem_shared>> -> memref<128xf32, #tpu.memory_space<vmem_shared>>
      tpu.wait_dma2 semaphore(%run_scoped3A : memref<!tpu.dma_semaphore, #tpu.memory_space<semaphore_mem>>) src(%arg6 : memref<128xf32, #tpu.memory_space<vmem>>) dst(%dma_wait3A_104 : memref<128xf32, #tpu.memory_space<vmem_shared>>)
      tpu.yield
    }) : () -> ()
    %barrier3A = arith.constant 0 : index
    tpu.barrier barrier_id(%barrier3A)
    %dma_start3A = arith.constant 0 : i32
    %dma_start3A_87 = arith.constant 0 : i32
    %dma_start3A_88 = tpu.memref_slice %arg4[%dma_start3A, %dma_start3A_87] : memref<79x128xi32, #tpu.memory_space<vmem>> -> memref<1x128xi32, #tpu.memory_space<vmem>>
    %dma_start3A_89 = tpu.memref_squeeze %dma_start3A_88 : memref<1x128xi32, #tpu.memory_space<vmem>> -> memref<128xi32, #tpu.memory_space<vmem>>
    %dma_start3A_90 = arith.constant 0 : i32
    %dma_start3A_91 = tpu.memref_slice %arg7[%dma_start3A_90] : memref<10240xf32, #tpu.memory_space<vmem_shared>> -> memref<10240xf32, #tpu.memory_space<vmem_shared>>
    tpu.enqueue_indirect_dma source(%arg5 : memref<128xf32, #tpu.memory_space<vmem>>) target(%dma_start3A_91 : memref<10240xf32, #tpu.memory_space<vmem_shared>>) offsets(%dma_start3A_89 : memref<128xi32, #tpu.memory_space<vmem>>) semaphore(%arg8 : memref<!tpu.dma_semaphore, #tpu.memory_space<semaphore_mem>>) {add = true}
    %scan3A = arith.constant 0 : i32
    %scan3A_92 = arith.constant 0 : i32
    %scan3A_93 = arith.constant 79 : i32
    %scan3A_94 = arith.addi %scan3A_92, %scan3A_93 : i32
    %scan3A_95 = arith.constant 1 : i32
    scf.for %scan3A_102 = %scan3A_92 to %scan3A_94 step %scan3A_95  : i32 {
      %add3A_103 = arith.constant 1 : i32
      %add3A_104 = arith.addi %scan3A_102, %add3A_103 : i32
      %lt3A = arith.constant 79 : i32
      %lt3A_105 = arith.cmpi slt, %add3A_104, %lt3A : i32
      %convert_element_type3A = arith.extui %lt3A_105 : i1 to i32
      %cond3A = arith.constant 0 : i32
      %cond3A_106 = arith.cmpi ne, %convert_element_type3A, %cond3A : i32
      scf.if %cond3A_106 {
        %add3A_112 = arith.constant 1 : i32
        %add3A_113 = arith.addi %scan3A_102, %add3A_112 : i32
        %dma_start3A_114 = arith.constant 0 : i32
        %dma_start3A_115 = tpu.memref_slice %arg4[%add3A_113, %dma_start3A_114] : memref<79x128xi32, #tpu.memory_space<vmem>> -> memref<1x128xi32, #tpu.memory_space<vmem>>
        %dma_start3A_116 = tpu.memref_squeeze %dma_start3A_115 : memref<1x128xi32, #tpu.memory_space<vmem>> -> memref<128xi32, #tpu.memory_space<vmem>>
        %dma_start3A_117 = arith.constant 0 : i32
        %dma_start3A_118 = tpu.memref_slice %arg7[%dma_start3A_117] : memref<10240xf32, #tpu.memory_space<vmem_shared>> -> memref<10240xf32, #tpu.memory_space<vmem_shared>>
        tpu.enqueue_indirect_dma source(%arg5 : memref<128xf32, #tpu.memory_space<vmem>>) target(%dma_start3A_118 : memref<10240xf32, #tpu.memory_space<vmem_shared>>) offsets(%dma_start3A_116 : memref<128xi32, #tpu.memory_space<vmem>>) semaphore(%arg8 : memref<!tpu.dma_semaphore, #tpu.memory_space<semaphore_mem>>) {add = true}
      } else {
      }
      %dma_wait3A = arith.constant 0 : i32
      %dma_wait3A_107 = arith.constant 0 : i32
      %dma_wait3A_108 = tpu.memref_slice %arg4[%dma_wait3A, %dma_wait3A_107] : memref<79x128xi32, #tpu.memory_space<vmem>> -> memref<1x128xi32, #tpu.memory_space<vmem>>
      %dma_wait3A_109 = tpu.memref_squeeze %dma_wait3A_108 : memref<1x128xi32, #tpu.memory_space<vmem>> -> memref<128xi32, #tpu.memory_space<vmem>>
      %dma_wait3A_110 = arith.constant 0 : i32
      %dma_wait3A_111 = tpu.memref_slice %arg7[%dma_wait3A_110] : memref<10240xf32, #tpu.memory_space<vmem_shared>> -> memref<10240xf32, #tpu.memory_space<vmem_shared>>
      tpu.wait_indirect_dma semaphore(%arg8 : memref<!tpu.dma_semaphore, #tpu.memory_space<semaphore_mem>>) src(%arg5 : memref<128xf32, #tpu.memory_space<vmem>>) dst(%dma_wait3A_111 : memref<10240xf32, #tpu.memory_space<vmem_shared>>)
    }
    %scan3A_96 = arith.constant 79 : i32
    %barrier3A_97 = arith.constant 0 : index
    tpu.barrier barrier_id(%barrier3A_97)
    %mul3A_98 = arith.constant 640 : i32
    %mul3A_99 = arith.muli %arg1, %mul3A_98 : i32
    %mul3A_100 = arith.constant 640 : i32
    %mul3A_101 = arith.muli %arg1, %mul3A_100 : i32
    "tpu.region"() ({
      %run_scoped3A = tpu.sem_alloc : memref<!tpu.dma_semaphore, #tpu.memory_space<semaphore_mem>>
      %dma_start3A_102 = tpu.memref_slice %arg3[%arg0, %mul3A_101] : memref<2x10240xf32, #tpu.memory_space<hbm>> -> memref<1x640xf32, #tpu.memory_space<hbm>>
      %dma_start3A_103 = tpu.memref_squeeze %dma_start3A_102 : memref<1x640xf32, #tpu.memory_space<hbm>> -> memref<640xf32, #tpu.memory_space<hbm>>
      %dma_start3A_104 = tpu.memref_slice %arg7[%mul3A_99] : memref<10240xf32, #tpu.memory_space<vmem_shared>> -> memref<640xf32, #tpu.memory_space<vmem_shared>>
      tpu.enqueue_dma source(%dma_start3A_104 : memref<640xf32, #tpu.memory_space<vmem_shared>>) target(%dma_start3A_103 : memref<640xf32, #tpu.memory_space<hbm>>) target_semaphore(%run_scoped3A : memref<!tpu.dma_semaphore, #tpu.memory_space<semaphore_mem>>)
      %dma_wait3A = tpu.memref_slice %arg3[%arg0, %mul3A_101] : memref<2x10240xf32, #tpu.memory_space<hbm>> -> memref<1x640xf32, #tpu.memory_space<hbm>>
      %dma_wait3A_105 = tpu.memref_squeeze %dma_wait3A : memref<1x640xf32, #tpu.memory_space<hbm>> -> memref<640xf32, #tpu.memory_space<hbm>>
      %dma_wait3A_106 = tpu.memref_slice %arg7[%mul3A_99] : memref<10240xf32, #tpu.memory_space<vmem_shared>> -> memref<640xf32, #tpu.memory_space<vmem_shared>>
      tpu.wait_dma2 semaphore(%run_scoped3A : memref<!tpu.dma_semaphore, #tpu.memory_space<semaphore_mem>>) src(%dma_wait3A_106 : memref<640xf32, #tpu.memory_space<vmem_shared>>) dst(%dma_wait3A_105 : memref<640xf32, #tpu.memory_space<hbm>>)
      tpu.yield
    }) : () -> ()
    return
  }
}

#map = affine_map<(d0, d1) -> (0, 0, 0)>
#map1 = affine_map<(d0, d1) -> (0, 0)>
module attributes {stable_mosaic.version = 14 : i64} {
  func.func @_edge_body(%arg0: i32, %arg1: i32, %arg2: memref<32x79x128xi32, #tpu.memory_space<hbm>>, %arg3: memref<32x79x128xi32, #tpu.memory_space<hbm>>, %arg4: memref<10240x64xf32, #tpu.memory_space<hbm>>, %arg5: memref<2x10240x64xf32, #tpu.memory_space<hbm>>, %arg6: memref<79x128xi32, #tpu.memory_space<vmem>>, %arg7: memref<79x128xi32, #tpu.memory_space<vmem>>, %arg8: memref<128x64xf32, #tpu.memory_space<vmem>>, %arg9: memref<128x64xf32, #tpu.memory_space<vmem>>, %arg10: memref<10240x64xf32, #tpu.memory_space<vmem_shared>>, %arg11: memref<10240x64xf32, #tpu.memory_space<vmem_shared>>, %arg12: memref<!tpu.dma_semaphore, #tpu.memory_space<semaphore_mem>>, %arg13: memref<!tpu.dma_semaphore, #tpu.memory_space<semaphore_mem>>) attributes {dimension_semantics = [#tpu.dimension_semantics<core_parallel>, #tpu.dimension_semantics<subcore_parallel>], iteration_bounds = array<i64: 2, 16>, scalar_prefetch = 0 : i64, scratch_operands = 8 : i64, tpu.core_type = #tpu.core_type<sc_vector_subcore>, window_params = [{transform_indices = #map}, {transform_indices = #map}, {transform_indices = #map1}, {transform_indices = #map}]} {
    %mul3A = arith.constant 16 : i32
    %mul3A_0 = arith.muli %arg0, %mul3A : i32
    %add3A = arith.addi %mul3A_0, %arg1 : i32
    %mul3A_1 = arith.constant 640 : i32
    %mul3A_2 = arith.muli %arg1, %mul3A_1 : i32
    "tpu.region"() ({
      %run_scoped3A_38 = tpu.sem_alloc : memref<!tpu.dma_semaphore, #tpu.memory_space<semaphore_mem>>
      %dma_start3A_39 = arith.constant 0 : i32
      %dma_start3A_40 = arith.constant 0 : i32
      %dma_start3A_41 = tpu.memref_slice %arg2[%add3A, %dma_start3A_39, %dma_start3A_40] : memref<32x79x128xi32, #tpu.memory_space<hbm>> -> memref<1x79x128xi32, #tpu.memory_space<hbm>>
      %dma_start3A_42 = tpu.memref_squeeze %dma_start3A_41 : memref<1x79x128xi32, #tpu.memory_space<hbm>> -> memref<79x128xi32, #tpu.memory_space<hbm>>
      %dma_start3A_43 = arith.constant 0 : i32
      %dma_start3A_44 = arith.constant 0 : i32
      %dma_start3A_45 = tpu.memref_slice %arg2[%add3A, %dma_start3A_43, %dma_start3A_44] : memref<32x79x128xi32, #tpu.memory_space<hbm>> -> memref<1x79x128xi32, #tpu.memory_space<hbm>>
      %dma_start3A_46 = tpu.memref_squeeze %dma_start3A_45 : memref<1x79x128xi32, #tpu.memory_space<hbm>> -> memref<79x128xi32, #tpu.memory_space<hbm>>
      tpu.enqueue_dma source(%dma_start3A_46 : memref<79x128xi32, #tpu.memory_space<hbm>>) target(%arg6 : memref<79x128xi32, #tpu.memory_space<vmem>>) target_semaphore(%run_scoped3A_38 : memref<!tpu.dma_semaphore, #tpu.memory_space<semaphore_mem>>)
      %dma_wait3A_47 = arith.constant 0 : i32
      %dma_wait3A_48 = arith.constant 0 : i32
      %dma_wait3A_49 = tpu.memref_slice %arg2[%add3A, %dma_wait3A_47, %dma_wait3A_48] : memref<32x79x128xi32, #tpu.memory_space<hbm>> -> memref<1x79x128xi32, #tpu.memory_space<hbm>>
      %dma_wait3A_50 = tpu.memref_squeeze %dma_wait3A_49 : memref<1x79x128xi32, #tpu.memory_space<hbm>> -> memref<79x128xi32, #tpu.memory_space<hbm>>
      %dma_wait3A_51 = arith.constant 0 : i32
      %dma_wait3A_52 = arith.constant 0 : i32
      %dma_wait3A_53 = tpu.memref_slice %arg2[%add3A, %dma_wait3A_51, %dma_wait3A_52] : memref<32x79x128xi32, #tpu.memory_space<hbm>> -> memref<1x79x128xi32, #tpu.memory_space<hbm>>
      %dma_wait3A_54 = tpu.memref_squeeze %dma_wait3A_53 : memref<1x79x128xi32, #tpu.memory_space<hbm>> -> memref<79x128xi32, #tpu.memory_space<hbm>>
      tpu.wait_dma2 semaphore(%run_scoped3A_38 : memref<!tpu.dma_semaphore, #tpu.memory_space<semaphore_mem>>) src(%dma_wait3A_54 : memref<79x128xi32, #tpu.memory_space<hbm>>) dst(%arg6 : memref<79x128xi32, #tpu.memory_space<vmem>>)
      tpu.yield
    }) : () -> ()
    "tpu.region"() ({
      %run_scoped3A_38 = tpu.sem_alloc : memref<!tpu.dma_semaphore, #tpu.memory_space<semaphore_mem>>
      %dma_start3A_39 = arith.constant 0 : i32
      %dma_start3A_40 = arith.constant 0 : i32
      %dma_start3A_41 = tpu.memref_slice %arg3[%add3A, %dma_start3A_39, %dma_start3A_40] : memref<32x79x128xi32, #tpu.memory_space<hbm>> -> memref<1x79x128xi32, #tpu.memory_space<hbm>>
      %dma_start3A_42 = tpu.memref_squeeze %dma_start3A_41 : memref<1x79x128xi32, #tpu.memory_space<hbm>> -> memref<79x128xi32, #tpu.memory_space<hbm>>
      %dma_start3A_43 = arith.constant 0 : i32
      %dma_start3A_44 = arith.constant 0 : i32
      %dma_start3A_45 = tpu.memref_slice %arg3[%add3A, %dma_start3A_43, %dma_start3A_44] : memref<32x79x128xi32, #tpu.memory_space<hbm>> -> memref<1x79x128xi32, #tpu.memory_space<hbm>>
      %dma_start3A_46 = tpu.memref_squeeze %dma_start3A_45 : memref<1x79x128xi32, #tpu.memory_space<hbm>> -> memref<79x128xi32, #tpu.memory_space<hbm>>
      tpu.enqueue_dma source(%dma_start3A_46 : memref<79x128xi32, #tpu.memory_space<hbm>>) target(%arg7 : memref<79x128xi32, #tpu.memory_space<vmem>>) target_semaphore(%run_scoped3A_38 : memref<!tpu.dma_semaphore, #tpu.memory_space<semaphore_mem>>)
      %dma_wait3A_47 = arith.constant 0 : i32
      %dma_wait3A_48 = arith.constant 0 : i32
      %dma_wait3A_49 = tpu.memref_slice %arg3[%add3A, %dma_wait3A_47, %dma_wait3A_48] : memref<32x79x128xi32, #tpu.memory_space<hbm>> -> memref<1x79x128xi32, #tpu.memory_space<hbm>>
      %dma_wait3A_50 = tpu.memref_squeeze %dma_wait3A_49 : memref<1x79x128xi32, #tpu.memory_space<hbm>> -> memref<79x128xi32, #tpu.memory_space<hbm>>
      %dma_wait3A_51 = arith.constant 0 : i32
      %dma_wait3A_52 = arith.constant 0 : i32
      %dma_wait3A_53 = tpu.memref_slice %arg3[%add3A, %dma_wait3A_51, %dma_wait3A_52] : memref<32x79x128xi32, #tpu.memory_space<hbm>> -> memref<1x79x128xi32, #tpu.memory_space<hbm>>
      %dma_wait3A_54 = tpu.memref_squeeze %dma_wait3A_53 : memref<1x79x128xi32, #tpu.memory_space<hbm>> -> memref<79x128xi32, #tpu.memory_space<hbm>>
      tpu.wait_dma2 semaphore(%run_scoped3A_38 : memref<!tpu.dma_semaphore, #tpu.memory_space<semaphore_mem>>) src(%dma_wait3A_54 : memref<79x128xi32, #tpu.memory_space<hbm>>) dst(%arg7 : memref<79x128xi32, #tpu.memory_space<vmem>>)
      tpu.yield
    }) : () -> ()
    "tpu.region"() ({
      %run_scoped3A_38 = tpu.sem_alloc : memref<!tpu.dma_semaphore, #tpu.memory_space<semaphore_mem>>
      %dma_start3A_39 = arith.constant 0 : i32
      %dma_start3A_40 = tpu.memref_slice %arg10[%mul3A_2, %dma_start3A_39] : memref<10240x64xf32, #tpu.memory_space<vmem_shared>> -> memref<640x64xf32, #tpu.memory_space<vmem_shared>>
      %dma_start3A_41 = arith.constant 0 : i32
      %dma_start3A_42 = tpu.memref_slice %arg4[%mul3A_2, %dma_start3A_41] : memref<10240x64xf32, #tpu.memory_space<hbm>> -> memref<640x64xf32, #tpu.memory_space<hbm>>
      tpu.enqueue_dma source(%dma_start3A_42 : memref<640x64xf32, #tpu.memory_space<hbm>>) target(%dma_start3A_40 : memref<640x64xf32, #tpu.memory_space<vmem_shared>>) target_semaphore(%run_scoped3A_38 : memref<!tpu.dma_semaphore, #tpu.memory_space<semaphore_mem>>)
      %dma_wait3A_43 = arith.constant 0 : i32
      %dma_wait3A_44 = tpu.memref_slice %arg10[%mul3A_2, %dma_wait3A_43] : memref<10240x64xf32, #tpu.memory_space<vmem_shared>> -> memref<640x64xf32, #tpu.memory_space<vmem_shared>>
      %dma_wait3A_45 = arith.constant 0 : i32
      %dma_wait3A_46 = tpu.memref_slice %arg4[%mul3A_2, %dma_wait3A_45] : memref<10240x64xf32, #tpu.memory_space<hbm>> -> memref<640x64xf32, #tpu.memory_space<hbm>>
      tpu.wait_dma2 semaphore(%run_scoped3A_38 : memref<!tpu.dma_semaphore, #tpu.memory_space<semaphore_mem>>) src(%dma_wait3A_46 : memref<640x64xf32, #tpu.memory_space<hbm>>) dst(%dma_wait3A_44 : memref<640x64xf32, #tpu.memory_space<vmem_shared>>)
      tpu.yield
    }) : () -> ()
    %broadcast_in_dim3A = arith.constant 0.000000e+00 : f32
    %broadcast_in_dim3A_3 = vector.broadcast %broadcast_in_dim3A : f32 to vector<16xf32>
    %scan3A = arith.constant 0 : i32
    %scan3A_4 = arith.constant 0 : i32
    %scan3A_5 = arith.constant 128 : i32
    %scan3A_6 = arith.addi %scan3A_4, %scan3A_5 : i32
    %scan3A_7 = arith.constant 1 : i32
    scf.for %scan3A_38 = %scan3A_4 to %scan3A_6 step %scan3A_7  : i32 {
      %swap3A = arith.index_cast %scan3A_38 : i32 to index
      %swap3A_39 = arith.constant 0 : index
      %swap3A_40 = tpu.vector_load %arg8[%swap3A, %swap3A_39] {strides = array<i32>} : memref<128x64xf32, #tpu.memory_space<vmem>>, vector<1x16xf32>,
      %swap3A_41 = vector.shape_cast %swap3A_40 : vector<1x16xf32> to vector<16xf32>
      %swap3A_42 = vector.shape_cast %broadcast_in_dim3A_3 : vector<16xf32> to vector<1x16xf32>
      tpu.vector_store %arg8[%swap3A, %swap3A_39], %swap3A_42 {strides = array<i32>} : memref<128x64xf32, #tpu.memory_space<vmem>>, vector<1x16xf32>,
      %swap3A_43 = arith.index_cast %scan3A_38 : i32 to index
      %swap3A_44 = arith.constant 16 : index
      %swap3A_45 = tpu.vector_load %arg8[%swap3A_43, %swap3A_44] {strides = array<i32>} : memref<128x64xf32, #tpu.memory_space<vmem>>, vector<1x16xf32>,
      %swap3A_46 = vector.shape_cast %swap3A_45 : vector<1x16xf32> to vector<16xf32>
      %swap3A_47 = vector.shape_cast %broadcast_in_dim3A_3 : vector<16xf32> to vector<1x16xf32>
      tpu.vector_store %arg8[%swap3A_43, %swap3A_44], %swap3A_47 {strides = array<i32>} : memref<128x64xf32, #tpu.memory_space<vmem>>, vector<1x16xf32>,
      %swap3A_48 = arith.index_cast %scan3A_38 : i32 to index
      %swap3A_49 = arith.constant 32 : index
      %swap3A_50 = tpu.vector_load %arg8[%swap3A_48, %swap3A_49] {strides = array<i32>} : memref<128x64xf32, #tpu.memory_space<vmem>>, vector<1x16xf32>,
      %swap3A_51 = vector.shape_cast %swap3A_50 : vector<1x16xf32> to vector<16xf32>
      %swap3A_52 = vector.shape_cast %broadcast_in_dim3A_3 : vector<16xf32> to vector<1x16xf32>
      tpu.vector_store %arg8[%swap3A_48, %swap3A_49], %swap3A_52 {strides = array<i32>} : memref<128x64xf32, #tpu.memory_space<vmem>>, vector<1x16xf32>,
      %swap3A_53 = arith.index_cast %scan3A_38 : i32 to index
      %swap3A_54 = arith.constant 48 : index
      %swap3A_55 = tpu.vector_load %arg8[%swap3A_53, %swap3A_54] {strides = array<i32>} : memref<128x64xf32, #tpu.memory_space<vmem>>, vector<1x16xf32>,
      %swap3A_56 = vector.shape_cast %swap3A_55 : vector<1x16xf32> to vector<16xf32>
      %swap3A_57 = vector.shape_cast %broadcast_in_dim3A_3 : vector<16xf32> to vector<1x16xf32>
      tpu.vector_store %arg8[%swap3A_53, %swap3A_54], %swap3A_57 {strides = array<i32>} : memref<128x64xf32, #tpu.memory_space<vmem>>, vector<1x16xf32>,
    }
    %scan3A_8 = arith.constant 128 : i32
    %add3A_9 = arith.constant 0 : i32
    %add3A_10 = arith.addi %mul3A_2, %add3A_9 : i32
    "tpu.region"() ({
      %run_scoped3A_38 = tpu.sem_alloc : memref<!tpu.dma_semaphore, #tpu.memory_space<semaphore_mem>>
      %dma_start3A_39 = arith.constant 0 : i32
      %dma_start3A_40 = tpu.memref_slice %arg11[%add3A_10, %dma_start3A_39] : memref<10240x64xf32, #tpu.memory_space<vmem_shared>> -> memref<128x64xf32, #tpu.memory_space<vmem_shared>>
      %dma_start3A_41 = arith.constant 0 : i32
      %dma_start3A_42 = tpu.memref_slice %arg11[%add3A_10, %dma_start3A_41] : memref<10240x64xf32, #tpu.memory_space<vmem_shared>> -> memref<128x64xf32, #tpu.memory_space<vmem_shared>>
      tpu.enqueue_dma source(%arg8 : memref<128x64xf32, #tpu.memory_space<vmem>>) target(%dma_start3A_42 : memref<128x64xf32, #tpu.memory_space<vmem_shared>>) target_semaphore(%run_scoped3A_38 : memref<!tpu.dma_semaphore, #tpu.memory_space<semaphore_mem>>)
      %dma_wait3A_43 = arith.constant 0 : i32
      %dma_wait3A_44 = tpu.memref_slice %arg11[%add3A_10, %dma_wait3A_43] : memref<10240x64xf32, #tpu.memory_space<vmem_shared>> -> memref<128x64xf32, #tpu.memory_space<vmem_shared>>
      %dma_wait3A_45 = arith.constant 0 : i32
      %dma_wait3A_46 = tpu.memref_slice %arg11[%add3A_10, %dma_wait3A_45] : memref<10240x64xf32, #tpu.memory_space<vmem_shared>> -> memref<128x64xf32, #tpu.memory_space<vmem_shared>>
      tpu.wait_dma2 semaphore(%run_scoped3A_38 : memref<!tpu.dma_semaphore, #tpu.memory_space<semaphore_mem>>) src(%arg8 : memref<128x64xf32, #tpu.memory_space<vmem>>) dst(%dma_wait3A_46 : memref<128x64xf32, #tpu.memory_space<vmem_shared>>)
      tpu.yield
    }) : () -> ()
    %add3A_11 = arith.constant 128 : i32
    %add3A_12 = arith.addi %mul3A_2, %add3A_11 : i32
    "tpu.region"() ({
      %run_scoped3A_38 = tpu.sem_alloc : memref<!tpu.dma_semaphore, #tpu.memory_space<semaphore_mem>>
      %dma_start3A_39 = arith.constant 0 : i32
      %dma_start3A_40 = tpu.memref_slice %arg11[%add3A_12, %dma_start3A_39] : memref<10240x64xf32, #tpu.memory_space<vmem_shared>> -> memref<128x64xf32, #tpu.memory_space<vmem_shared>>
      %dma_start3A_41 = arith.constant 0 : i32
      %dma_start3A_42 = tpu.memref_slice %arg11[%add3A_12, %dma_start3A_41] : memref<10240x64xf32, #tpu.memory_space<vmem_shared>> -> memref<128x64xf32, #tpu.memory_space<vmem_shared>>
      tpu.enqueue_dma source(%arg8 : memref<128x64xf32, #tpu.memory_space<vmem>>) target(%dma_start3A_42 : memref<128x64xf32, #tpu.memory_space<vmem_shared>>) target_semaphore(%run_scoped3A_38 : memref<!tpu.dma_semaphore, #tpu.memory_space<semaphore_mem>>)
      %dma_wait3A_43 = arith.constant 0 : i32
      %dma_wait3A_44 = tpu.memref_slice %arg11[%add3A_12, %dma_wait3A_43] : memref<10240x64xf32, #tpu.memory_space<vmem_shared>> -> memref<128x64xf32, #tpu.memory_space<vmem_shared>>
      %dma_wait3A_45 = arith.constant 0 : i32
      %dma_wait3A_46 = tpu.memref_slice %arg11[%add3A_12, %dma_wait3A_45] : memref<10240x64xf32, #tpu.memory_space<vmem_shared>> -> memref<128x64xf32, #tpu.memory_space<vmem_shared>>
      tpu.wait_dma2 semaphore(%run_scoped3A_38 : memref<!tpu.dma_semaphore, #tpu.memory_space<semaphore_mem>>) src(%arg8 : memref<128x64xf32, #tpu.memory_space<vmem>>) dst(%dma_wait3A_46 : memref<128x64xf32, #tpu.memory_space<vmem_shared>>)
      tpu.yield
    }) : () -> ()
    %add3A_13 = arith.constant 256 : i32
    %add3A_14 = arith.addi %mul3A_2, %add3A_13 : i32
    "tpu.region"() ({
      %run_scoped3A_38 = tpu.sem_alloc : memref<!tpu.dma_semaphore, #tpu.memory_space<semaphore_mem>>
      %dma_start3A_39 = arith.constant 0 : i32
      %dma_start3A_40 = tpu.memref_slice %arg11[%add3A_14, %dma_start3A_39] : memref<10240x64xf32, #tpu.memory_space<vmem_shared>> -> memref<128x64xf32, #tpu.memory_space<vmem_shared>>
      %dma_start3A_41 = arith.constant 0 : i32
      %dma_start3A_42 = tpu.memref_slice %arg11[%add3A_14, %dma_start3A_41] : memref<10240x64xf32, #tpu.memory_space<vmem_shared>> -> memref<128x64xf32, #tpu.memory_space<vmem_shared>>
      tpu.enqueue_dma source(%arg8 : memref<128x64xf32, #tpu.memory_space<vmem>>) target(%dma_start3A_42 : memref<128x64xf32, #tpu.memory_space<vmem_shared>>) target_semaphore(%run_scoped3A_38 : memref<!tpu.dma_semaphore, #tpu.memory_space<semaphore_mem>>)
      %dma_wait3A_43 = arith.constant 0 : i32
      %dma_wait3A_44 = tpu.memref_slice %arg11[%add3A_14, %dma_wait3A_43] : memref<10240x64xf32, #tpu.memory_space<vmem_shared>> -> memref<128x64xf32, #tpu.memory_space<vmem_shared>>
      %dma_wait3A_45 = arith.constant 0 : i32
      %dma_wait3A_46 = tpu.memref_slice %arg11[%add3A_14, %dma_wait3A_45] : memref<10240x64xf32, #tpu.memory_space<vmem_shared>> -> memref<128x64xf32, #tpu.memory_space<vmem_shared>>
      tpu.wait_dma2 semaphore(%run_scoped3A_38 : memref<!tpu.dma_semaphore, #tpu.memory_space<semaphore_mem>>) src(%arg8 : memref<128x64xf32, #tpu.memory_space<vmem>>) dst(%dma_wait3A_46 : memref<128x64xf32, #tpu.memory_space<vmem_shared>>)
      tpu.yield
    }) : () -> ()
    %add3A_15 = arith.constant 384 : i32
    %add3A_16 = arith.addi %mul3A_2, %add3A_15 : i32
    "tpu.region"() ({
      %run_scoped3A_38 = tpu.sem_alloc : memref<!tpu.dma_semaphore, #tpu.memory_space<semaphore_mem>>
      %dma_start3A_39 = arith.constant 0 : i32
      %dma_start3A_40 = tpu.memref_slice %arg11[%add3A_16, %dma_start3A_39] : memref<10240x64xf32, #tpu.memory_space<vmem_shared>> -> memref<128x64xf32, #tpu.memory_space<vmem_shared>>
      %dma_start3A_41 = arith.constant 0 : i32
      %dma_start3A_42 = tpu.memref_slice %arg11[%add3A_16, %dma_start3A_41] : memref<10240x64xf32, #tpu.memory_space<vmem_shared>> -> memref<128x64xf32, #tpu.memory_space<vmem_shared>>
      tpu.enqueue_dma source(%arg8 : memref<128x64xf32, #tpu.memory_space<vmem>>) target(%dma_start3A_42 : memref<128x64xf32, #tpu.memory_space<vmem_shared>>) target_semaphore(%run_scoped3A_38 : memref<!tpu.dma_semaphore, #tpu.memory_space<semaphore_mem>>)
      %dma_wait3A_43 = arith.constant 0 : i32
      %dma_wait3A_44 = tpu.memref_slice %arg11[%add3A_16, %dma_wait3A_43] : memref<10240x64xf32, #tpu.memory_space<vmem_shared>> -> memref<128x64xf32, #tpu.memory_space<vmem_shared>>
      %dma_wait3A_45 = arith.constant 0 : i32
      %dma_wait3A_46 = tpu.memref_slice %arg11[%add3A_16, %dma_wait3A_45] : memref<10240x64xf32, #tpu.memory_space<vmem_shared>> -> memref<128x64xf32, #tpu.memory_space<vmem_shared>>
      tpu.wait_dma2 semaphore(%run_scoped3A_38 : memref<!tpu.dma_semaphore, #tpu.memory_space<semaphore_mem>>) src(%arg8 : memref<128x64xf32, #tpu.memory_space<vmem>>) dst(%dma_wait3A_46 : memref<128x64xf32, #tpu.memory_space<vmem_shared>>)
      tpu.yield
    }) : () -> ()
    %add3A_17 = arith.constant 512 : i32
    %add3A_18 = arith.addi %mul3A_2, %add3A_17 : i32
    "tpu.region"() ({
      %run_scoped3A_38 = tpu.sem_alloc : memref<!tpu.dma_semaphore, #tpu.memory_space<semaphore_mem>>
      %dma_start3A_39 = arith.constant 0 : i32
      %dma_start3A_40 = tpu.memref_slice %arg11[%add3A_18, %dma_start3A_39] : memref<10240x64xf32, #tpu.memory_space<vmem_shared>> -> memref<128x64xf32, #tpu.memory_space<vmem_shared>>
      %dma_start3A_41 = arith.constant 0 : i32
      %dma_start3A_42 = tpu.memref_slice %arg11[%add3A_18, %dma_start3A_41] : memref<10240x64xf32, #tpu.memory_space<vmem_shared>> -> memref<128x64xf32, #tpu.memory_space<vmem_shared>>
      tpu.enqueue_dma source(%arg8 : memref<128x64xf32, #tpu.memory_space<vmem>>) target(%dma_start3A_42 : memref<128x64xf32, #tpu.memory_space<vmem_shared>>) target_semaphore(%run_scoped3A_38 : memref<!tpu.dma_semaphore, #tpu.memory_space<semaphore_mem>>)
      %dma_wait3A_43 = arith.constant 0 : i32
      %dma_wait3A_44 = tpu.memref_slice %arg11[%add3A_18, %dma_wait3A_43] : memref<10240x64xf32, #tpu.memory_space<vmem_shared>> -> memref<128x64xf32, #tpu.memory_space<vmem_shared>>
      %dma_wait3A_45 = arith.constant 0 : i32
      %dma_wait3A_46 = tpu.memref_slice %arg11[%add3A_18, %dma_wait3A_45] : memref<10240x64xf32, #tpu.memory_space<vmem_shared>> -> memref<128x64xf32, #tpu.memory_space<vmem_shared>>
      tpu.wait_dma2 semaphore(%run_scoped3A_38 : memref<!tpu.dma_semaphore, #tpu.memory_space<semaphore_mem>>) src(%arg8 : memref<128x64xf32, #tpu.memory_space<vmem>>) dst(%dma_wait3A_46 : memref<128x64xf32, #tpu.memory_space<vmem_shared>>)
      tpu.yield
    }) : () -> ()
    %barrier3A = arith.constant 0 : index
    tpu.barrier barrier_id(%barrier3A)
    %dma_start3A = arith.constant 0 : i32
    %dma_start3A_19 = arith.constant 0 : i32
    %dma_start3A_20 = tpu.memref_slice %arg6[%dma_start3A, %dma_start3A_19] : memref<79x128xi32, #tpu.memory_space<vmem>> -> memref<1x128xi32, #tpu.memory_space<vmem>>
    %dma_start3A_21 = tpu.memref_squeeze %dma_start3A_20 : memref<1x128xi32, #tpu.memory_space<vmem>> -> memref<128xi32, #tpu.memory_space<vmem>>
    %dma_start3A_22 = arith.constant 0 : i32
    %dma_start3A_23 = arith.constant 0 : i32
    %dma_start3A_24 = tpu.memref_slice %arg10[%dma_start3A_22, %dma_start3A_23] : memref<10240x64xf32, #tpu.memory_space<vmem_shared>> -> memref<10240x64xf32, #tpu.memory_space<vmem_shared>>
    tpu.enqueue_indirect_dma source(%dma_start3A_24 : memref<10240x64xf32, #tpu.memory_space<vmem_shared>>) target(%arg8 : memref<128x64xf32, #tpu.memory_space<vmem>>) offsets(%dma_start3A_21 : memref<128xi32, #tpu.memory_space<vmem>>) semaphore(%arg12 : memref<!tpu.dma_semaphore, #tpu.memory_space<semaphore_mem>>)
    %scan3A_25 = arith.constant 0 : i32
    %scan3A_26 = arith.constant 0 : i32
    %scan3A_27 = arith.constant 39 : i32
    %scan3A_28 = arith.addi %scan3A_26, %scan3A_27 : i32
    %scan3A_29 = arith.constant 1 : i32
    scf.for %scan3A_38 = %scan3A_26 to %scan3A_28 step %scan3A_29  : i32 {
      %mul3A_39 = arith.constant 2 : i32
      %mul3A_40 = arith.muli %mul3A_39, %scan3A_38 : i32
      %add3A_41 = arith.constant 1 : i32
      %add3A_42 = arith.addi %mul3A_40, %add3A_41 : i32
      %dma_start3A_43 = arith.constant 0 : i32
      %dma_start3A_44 = tpu.memref_slice %arg6[%add3A_42, %dma_start3A_43] : memref<79x128xi32, #tpu.memory_space<vmem>> -> memref<1x128xi32, #tpu.memory_space<vmem>>
      %dma_start3A_45 = tpu.memref_squeeze %dma_start3A_44 : memref<1x128xi32, #tpu.memory_space<vmem>> -> memref<128xi32, #tpu.memory_space<vmem>>
      %dma_start3A_46 = arith.constant 0 : i32
      %dma_start3A_47 = arith.constant 0 : i32
      %dma_start3A_48 = tpu.memref_slice %arg10[%dma_start3A_46, %dma_start3A_47] : memref<10240x64xf32, #tpu.memory_space<vmem_shared>> -> memref<10240x64xf32, #tpu.memory_space<vmem_shared>>
      tpu.enqueue_indirect_dma source(%dma_start3A_48 : memref<10240x64xf32, #tpu.memory_space<vmem_shared>>) target(%arg9 : memref<128x64xf32, #tpu.memory_space<vmem>>) offsets(%dma_start3A_45 : memref<128xi32, #tpu.memory_space<vmem>>) semaphore(%arg13 : memref<!tpu.dma_semaphore, #tpu.memory_space<semaphore_mem>>)
      %dma_wait3A_49 = arith.constant 0 : i32
      %dma_wait3A_50 = tpu.memref_slice %arg6[%mul3A_40, %dma_wait3A_49] : memref<79x128xi32, #tpu.memory_space<vmem>> -> memref<1x128xi32, #tpu.memory_space<vmem>>
      %dma_wait3A_51 = tpu.memref_squeeze %dma_wait3A_50 : memref<1x128xi32, #tpu.memory_space<vmem>> -> memref<128xi32, #tpu.memory_space<vmem>>
      %dma_wait3A_52 = arith.constant 0 : i32
      %dma_wait3A_53 = arith.constant 0 : i32
      %dma_wait3A_54 = tpu.memref_slice %arg10[%dma_wait3A_52, %dma_wait3A_53] : memref<10240x64xf32, #tpu.memory_space<vmem_shared>> -> memref<10240x64xf32, #tpu.memory_space<vmem_shared>>
      tpu.wait_indirect_dma semaphore(%arg12 : memref<!tpu.dma_semaphore, #tpu.memory_space<semaphore_mem>>) src(%dma_wait3A_54 : memref<10240x64xf32, #tpu.memory_space<vmem_shared>>) dst(%arg8 : memref<128x64xf32, #tpu.memory_space<vmem>>)
      "tpu.region"() ({
        %run_scoped3A_67 = tpu.sem_alloc : memref<!tpu.dma_semaphore, #tpu.memory_space<semaphore_mem>>
        %dma_start3A_68 = arith.constant 0 : i32
        %dma_start3A_69 = tpu.memref_slice %arg7[%mul3A_40, %dma_start3A_68] : memref<79x128xi32, #tpu.memory_space<vmem>> -> memref<1x128xi32, #tpu.memory_space<vmem>>
        %dma_start3A_70 = tpu.memref_squeeze %dma_start3A_69 : memref<1x128xi32, #tpu.memory_space<vmem>> -> memref<128xi32, #tpu.memory_space<vmem>>
        %dma_start3A_71 = arith.constant 0 : i32
        %dma_start3A_72 = arith.constant 0 : i32
        %dma_start3A_73 = tpu.memref_slice %arg11[%dma_start3A_71, %dma_start3A_72] : memref<10240x64xf32, #tpu.memory_space<vmem_shared>> -> memref<10240x64xf32, #tpu.memory_space<vmem_shared>>
        tpu.enqueue_indirect_dma source(%arg8 : memref<128x64xf32, #tpu.memory_space<vmem>>) target(%dma_start3A_73 : memref<10240x64xf32, #tpu.memory_space<vmem_shared>>) offsets(%dma_start3A_70 : memref<128xi32, #tpu.memory_space<vmem>>) semaphore(%run_scoped3A_67 : memref<!tpu.dma_semaphore, #tpu.memory_space<semaphore_mem>>) {add = true}
        %dma_wait3A_74 = arith.constant 0 : i32
        %dma_wait3A_75 = tpu.memref_slice %arg7[%mul3A_40, %dma_wait3A_74] : memref<79x128xi32, #tpu.memory_space<vmem>> -> memref<1x128xi32, #tpu.memory_space<vmem>>
        %dma_wait3A_76 = tpu.memref_squeeze %dma_wait3A_75 : memref<1x128xi32, #tpu.memory_space<vmem>> -> memref<128xi32, #tpu.memory_space<vmem>>
        %dma_wait3A_77 = arith.constant 0 : i32
        %dma_wait3A_78 = arith.constant 0 : i32
        %dma_wait3A_79 = tpu.memref_slice %arg11[%dma_wait3A_77, %dma_wait3A_78] : memref<10240x64xf32, #tpu.memory_space<vmem_shared>> -> memref<10240x64xf32, #tpu.memory_space<vmem_shared>>
        tpu.wait_indirect_dma semaphore(%run_scoped3A_67 : memref<!tpu.dma_semaphore, #tpu.memory_space<semaphore_mem>>) src(%arg8 : memref<128x64xf32, #tpu.memory_space<vmem>>) dst(%dma_wait3A_79 : memref<10240x64xf32, #tpu.memory_space<vmem_shared>>)
        tpu.yield
      }) : () -> ()
      %add3A_55 = arith.constant 2 : i32
      %add3A_56 = arith.addi %mul3A_40, %add3A_55 : i32
      %lt3A = arith.constant 79 : i32
      %lt3A_57 = arith.cmpi slt, %add3A_56, %lt3A : i32
      %convert_element_type3A = arith.extui %lt3A_57 : i1 to i32
      %cond3A = arith.constant 0 : i32
      %cond3A_58 = arith.cmpi ne, %convert_element_type3A, %cond3A : i32
      scf.if %cond3A_58 {
        %add3A_67 = arith.constant 2 : i32
        %add3A_68 = arith.addi %mul3A_40, %add3A_67 : i32
        %dma_start3A_69 = arith.constant 0 : i32
        %dma_start3A_70 = tpu.memref_slice %arg6[%add3A_68, %dma_start3A_69] : memref<79x128xi32, #tpu.memory_space<vmem>> -> memref<1x128xi32, #tpu.memory_space<vmem>>
        %dma_start3A_71 = tpu.memref_squeeze %dma_start3A_70 : memref<1x128xi32, #tpu.memory_space<vmem>> -> memref<128xi32, #tpu.memory_space<vmem>>
        %dma_start3A_72 = arith.constant 0 : i32
        %dma_start3A_73 = arith.constant 0 : i32
        %dma_start3A_74 = tpu.memref_slice %arg10[%dma_start3A_72, %dma_start3A_73] : memref<10240x64xf32, #tpu.memory_space<vmem_shared>> -> memref<10240x64xf32, #tpu.memory_space<vmem_shared>>
        tpu.enqueue_indirect_dma source(%dma_start3A_74 : memref<10240x64xf32, #tpu.memory_space<vmem_shared>>) target(%arg8 : memref<128x64xf32, #tpu.memory_space<vmem>>) offsets(%dma_start3A_71 : memref<128xi32, #tpu.memory_space<vmem>>) semaphore(%arg12 : memref<!tpu.dma_semaphore, #tpu.memory_space<semaphore_mem>>)
      } else {
      }
      %dma_wait3A_59 = arith.constant 0 : i32
      %dma_wait3A_60 = tpu.memref_slice %arg6[%mul3A_40, %dma_wait3A_59] : memref<79x128xi32, #tpu.memory_space<vmem>> -> memref<1x128xi32, #tpu.memory_space<vmem>>
      %dma_wait3A_61 = tpu.memref_squeeze %dma_wait3A_60 : memref<1x128xi32, #tpu.memory_space<vmem>> -> memref<128xi32, #tpu.memory_space<vmem>>
      %dma_wait3A_62 = arith.constant 0 : i32
      %dma_wait3A_63 = arith.constant 0 : i32
      %dma_wait3A_64 = tpu.memref_slice %arg10[%dma_wait3A_62, %dma_wait3A_63] : memref<10240x64xf32, #tpu.memory_space<vmem_shared>> -> memref<10240x64xf32, #tpu.memory_space<vmem_shared>>
      tpu.wait_indirect_dma semaphore(%arg13 : memref<!tpu.dma_semaphore, #tpu.memory_space<semaphore_mem>>) src(%dma_wait3A_64 : memref<10240x64xf32, #tpu.memory_space<vmem_shared>>) dst(%arg9 : memref<128x64xf32, #tpu.memory_space<vmem>>)
      %add3A_65 = arith.constant 1 : i32
      %add3A_66 = arith.addi %mul3A_40, %add3A_65 : i32
      "tpu.region"() ({
        %run_scoped3A_67 = tpu.sem_alloc : memref<!tpu.dma_semaphore, #tpu.memory_space<semaphore_mem>>
        %dma_start3A_68 = arith.constant 0 : i32
        %dma_start3A_69 = tpu.memref_slice %arg7[%add3A_66, %dma_start3A_68] : memref<79x128xi32, #tpu.memory_space<vmem>> -> memref<1x128xi32, #tpu.memory_space<vmem>>
        %dma_start3A_70 = tpu.memref_squeeze %dma_start3A_69 : memref<1x128xi32, #tpu.memory_space<vmem>> -> memref<128xi32, #tpu.memory_space<vmem>>
        %dma_start3A_71 = arith.constant 0 : i32
        %dma_start3A_72 = arith.constant 0 : i32
        %dma_start3A_73 = tpu.memref_slice %arg11[%dma_start3A_71, %dma_start3A_72] : memref<10240x64xf32, #tpu.memory_space<vmem_shared>> -> memref<10240x64xf32, #tpu.memory_space<vmem_shared>>
        tpu.enqueue_indirect_dma source(%arg9 : memref<128x64xf32, #tpu.memory_space<vmem>>) target(%dma_start3A_73 : memref<10240x64xf32, #tpu.memory_space<vmem_shared>>) offsets(%dma_start3A_70 : memref<128xi32, #tpu.memory_space<vmem>>) semaphore(%run_scoped3A_67 : memref<!tpu.dma_semaphore, #tpu.memory_space<semaphore_mem>>) {add = true}
        %dma_wait3A_74 = arith.constant 0 : i32
        %dma_wait3A_75 = tpu.memref_slice %arg7[%add3A_66, %dma_wait3A_74] : memref<79x128xi32, #tpu.memory_space<vmem>> -> memref<1x128xi32, #tpu.memory_space<vmem>>
        %dma_wait3A_76 = tpu.memref_squeeze %dma_wait3A_75 : memref<1x128xi32, #tpu.memory_space<vmem>> -> memref<128xi32, #tpu.memory_space<vmem>>
        %dma_wait3A_77 = arith.constant 0 : i32
        %dma_wait3A_78 = arith.constant 0 : i32
        %dma_wait3A_79 = tpu.memref_slice %arg11[%dma_wait3A_77, %dma_wait3A_78] : memref<10240x64xf32, #tpu.memory_space<vmem_shared>> -> memref<10240x64xf32, #tpu.memory_space<vmem_shared>>
        tpu.wait_indirect_dma semaphore(%run_scoped3A_67 : memref<!tpu.dma_semaphore, #tpu.memory_space<semaphore_mem>>) src(%arg9 : memref<128x64xf32, #tpu.memory_space<vmem>>) dst(%dma_wait3A_79 : memref<10240x64xf32, #tpu.memory_space<vmem_shared>>)
        tpu.yield
      }) : () -> ()
    }
    %scan3A_30 = arith.constant 39 : i32
    %dma_wait3A = arith.constant 78 : i32
    %dma_wait3A_31 = arith.constant 0 : i32
    %dma_wait3A_32 = tpu.memref_slice %arg6[%dma_wait3A, %dma_wait3A_31] : memref<79x128xi32, #tpu.memory_space<vmem>> -> memref<1x128xi32, #tpu.memory_space<vmem>>
    %dma_wait3A_33 = tpu.memref_squeeze %dma_wait3A_32 : memref<1x128xi32, #tpu.memory_space<vmem>> -> memref<128xi32, #tpu.memory_space<vmem>>
    %dma_wait3A_34 = arith.constant 0 : i32
    %dma_wait3A_35 = arith.constant 0 : i32
    %dma_wait3A_36 = tpu.memref_slice %arg10[%dma_wait3A_34, %dma_wait3A_35] : memref<10240x64xf32, #tpu.memory_space<vmem_shared>> -> memref<10240x64xf32, #tpu.memory_space<vmem_shared>>
    tpu.wait_indirect_dma semaphore(%arg12 : memref<!tpu.dma_semaphore, #tpu.memory_space<semaphore_mem>>) src(%dma_wait3A_36 : memref<10240x64xf32, #tpu.memory_space<vmem_shared>>) dst(%arg8 : memref<128x64xf32, #tpu.memory_space<vmem>>)
    %run_scoped3A = arith.constant 78 : i32
    "tpu.region"() ({
      %run_scoped3A_38 = tpu.sem_alloc : memref<!tpu.dma_semaphore, #tpu.memory_space<semaphore_mem>>
      %dma_start3A_39 = arith.constant 0 : i32
      %dma_start3A_40 = tpu.memref_slice %arg7[%run_scoped3A, %dma_start3A_39] : memref<79x128xi32, #tpu.memory_space<vmem>> -> memref<1x128xi32, #tpu.memory_space<vmem>>
      %dma_start3A_41 = tpu.memref_squeeze %dma_start3A_40 : memref<1x128xi32, #tpu.memory_space<vmem>> -> memref<128xi32, #tpu.memory_space<vmem>>
      %dma_start3A_42 = arith.constant 0 : i32
      %dma_start3A_43 = arith.constant 0 : i32
      %dma_start3A_44 = tpu.memref_slice %arg11[%dma_start3A_42, %dma_start3A_43] : memref<10240x64xf32, #tpu.memory_space<vmem_shared>> -> memref<10240x64xf32, #tpu.memory_space<vmem_shared>>
      tpu.enqueue_indirect_dma source(%arg8 : memref<128x64xf32, #tpu.memory_space<vmem>>) target(%dma_start3A_44 : memref<10240x64xf32, #tpu.memory_space<vmem_shared>>) offsets(%dma_start3A_41 : memref<128xi32, #tpu.memory_space<vmem>>) semaphore(%run_scoped3A_38 : memref<!tpu.dma_semaphore, #tpu.memory_space<semaphore_mem>>) {add = true}
      %dma_wait3A_45 = arith.constant 0 : i32
      %dma_wait3A_46 = tpu.memref_slice %arg7[%run_scoped3A, %dma_wait3A_45] : memref<79x128xi32, #tpu.memory_space<vmem>> -> memref<1x128xi32, #tpu.memory_space<vmem>>
      %dma_wait3A_47 = tpu.memref_squeeze %dma_wait3A_46 : memref<1x128xi32, #tpu.memory_space<vmem>> -> memref<128xi32, #tpu.memory_space<vmem>>
      %dma_wait3A_48 = arith.constant 0 : i32
      %dma_wait3A_49 = arith.constant 0 : i32
      %dma_wait3A_50 = tpu.memref_slice %arg11[%dma_wait3A_48, %dma_wait3A_49] : memref<10240x64xf32, #tpu.memory_space<vmem_shared>> -> memref<10240x64xf32, #tpu.memory_space<vmem_shared>>
      tpu.wait_indirect_dma semaphore(%run_scoped3A_38 : memref<!tpu.dma_semaphore, #tpu.memory_space<semaphore_mem>>) src(%arg8 : memref<128x64xf32, #tpu.memory_space<vmem>>) dst(%dma_wait3A_50 : memref<10240x64xf32, #tpu.memory_space<vmem_shared>>)
      tpu.yield
    }) : () -> ()
    %barrier3A_37 = arith.constant 0 : index
    tpu.barrier barrier_id(%barrier3A_37)
    "tpu.region"() ({
      %run_scoped3A_38 = tpu.sem_alloc : memref<!tpu.dma_semaphore, #tpu.memory_space<semaphore_mem>>
      %dma_start3A_39 = arith.constant 0 : i32
      %dma_start3A_40 = tpu.memref_slice %arg5[%arg0, %mul3A_2, %dma_start3A_39] : memref<2x10240x64xf32, #tpu.memory_space<hbm>> -> memref<1x640x64xf32, #tpu.memory_space<hbm>>
      %dma_start3A_41 = tpu.memref_squeeze %dma_start3A_40 : memref<1x640x64xf32, #tpu.memory_space<hbm>> -> memref<640x64xf32, #tpu.memory_space<hbm>>
      %dma_start3A_42 = arith.constant 0 : i32
      %dma_start3A_43 = tpu.memref_slice %arg11[%mul3A_2, %dma_start3A_42] : memref<10240x64xf32, #tpu.memory_space<vmem_shared>> -> memref<640x64xf32, #tpu.memory_space<vmem_shared>>
      tpu.enqueue_dma source(%dma_start3A_43 : memref<640x64xf32, #tpu.memory_space<vmem_shared>>) target(%dma_start3A_41 : memref<640x64xf32, #tpu.memory_space<hbm>>) target_semaphore(%run_scoped3A_38 : memref<!tpu.dma_semaphore, #tpu.memory_space<semaphore_mem>>)
      %dma_wait3A_44 = arith.constant 0 : i32
      %dma_wait3A_45 = tpu.memref_slice %arg5[%arg0, %mul3A_2, %dma_wait3A_44] : memref<2x10240x64xf32, #tpu.memory_space<hbm>> -> memref<1x640x64xf32, #tpu.memory_space<hbm>>
      %dma_wait3A_46 = tpu.memref_squeeze %dma_wait3A_45 : memref<1x640x64xf32, #tpu.memory_space<hbm>> -> memref<640x64xf32, #tpu.memory_space<hbm>>
      %dma_wait3A_47 = arith.constant 0 : i32
      %dma_wait3A_48 = tpu.memref_slice %arg11[%mul3A_2, %dma_wait3A_47] : memref<10240x64xf32, #tpu.memory_space<vmem_shared>> -> memref<640x64xf32, #tpu.memory_space<vmem_shared>>
      tpu.wait_dma2 semaphore(%run_scoped3A_38 : memref<!tpu.dma_semaphore, #tpu.memory_space<semaphore_mem>>) src(%dma_wait3A_48 : memref<640x64xf32, #tpu.memory_space<vmem_shared>>) dst(%dma_wait3A_46 : memref<640x64xf32, #tpu.memory_space<hbm>>)
      tpu.yield
    }) : () -> ()
    return
  }
}

module attributes {stable_mosaic.version = 14 : i64} {
  func.func @_fold_body(%arg0: memref<10000x128xf32, #tpu.memory_space<vmem>>, %arg1: memref<128x128xf32, #tpu.memory_space<vmem>>, %arg2: memref<64x128xf32, #tpu.memory_space<vmem>>, %arg3: memref<64x64xf32, #tpu.memory_space<vmem>>, %arg4: memref<1x128xf32, #tpu.memory_space<vmem>>, %arg5: memref<1x64xf32, #tpu.memory_space<vmem>>, %arg6: memref<1x64xf32, #tpu.memory_space<vmem>>, %arg7: memref<10240x2xf32, #tpu.memory_space<vmem>>, %arg8: memref<10240x64xf32, #tpu.memory_space<vmem>>, %arg9: memref<10240x64xf32, #tpu.memory_space<vmem>>) attributes {dimension_semantics = [], scalar_prefetch = 0 : i64, scratch_operands = 0 : i64, tpu.core_type = #tpu.core_type<tc>} {
    %get3A = arith.constant 0 : index
    %get3A_0 = arith.constant 0 : index
    %get3A_1 = vector.load %arg0[%get3A, %get3A_0] : memref<10000x128xf32, #tpu.memory_space<vmem>>, vector<10000x128xf32>
    %get3A_2 = arith.constant 0 : index
    %get3A_3 = arith.constant 0 : index
    %get3A_4 = vector.load %arg1[%get3A_2, %get3A_3] : memref<128x128xf32, #tpu.memory_space<vmem>>, vector<128x128xf32>
    %dot_general3A = arith.constant dense<0.000000e+00> : vector<10000x128xf32>
    %dot_general3A_5 = tpu.matmul %get3A_1, %get3A_4, %dot_general3A {dimension_numbers = #tpu.dot_dimension_numbers<[1], [1], [0], [0], [0, 0, 1, 0], [], []>, transpose_lhs_hint = false} : vector<10000x128xf32>, vector<128x128xf32>, vector<10000x128xf32> -> vector<10000x128xf32>
    %get3A_6 = arith.constant 0 : index
    %get3A_7 = arith.constant 0 : index
    %get3A_8 = vector.load %arg2[%get3A_6, %get3A_7] : memref<64x128xf32, #tpu.memory_space<vmem>>, vector<64x128xf32>
    %dot_general3A_9 = arith.constant dense<0.000000e+00> : vector<10000x64xf32>
    %dot_general3A_10 = tpu.matmul %dot_general3A_5, %get3A_8, %dot_general3A_9 {dimension_numbers = #tpu.dot_dimension_numbers<[1], [1], [0], [0], [0, 0, 1, 0], [], []>, transpose_lhs_hint = false} : vector<10000x128xf32>, vector<64x128xf32>, vector<10000x64xf32> -> vector<10000x64xf32>
    %get3A_11 = arith.constant 0 : index
    %get3A_12 = arith.constant 0 : index
    %get3A_13 = vector.load %arg3[%get3A_11, %get3A_12] : memref<64x64xf32, #tpu.memory_space<vmem>>, vector<64x64xf32>
    %dot_general3A_14 = arith.constant dense<0.000000e+00> : vector<10000x64xf32>
    %dot_general3A_15 = tpu.matmul %dot_general3A_10, %get3A_13, %dot_general3A_14 {dimension_numbers = #tpu.dot_dimension_numbers<[1], [1], [0], [0], [0, 0, 1, 0], [], []>, transpose_lhs_hint = false} : vector<10000x64xf32>, vector<64x64xf32>, vector<10000x64xf32> -> vector<10000x64xf32>
    %get3A_16 = arith.constant 0 : index
    %get3A_17 = arith.constant 0 : index
    %get3A_18 = vector.load %arg4[%get3A_16, %get3A_17] : memref<1x128xf32, #tpu.memory_space<vmem>>, vector<1x128xf32>
    %get3A_19 = arith.constant 0 : index
    %get3A_20 = arith.constant 0 : index
    %get3A_21 = vector.load %arg2[%get3A_19, %get3A_20] : memref<64x128xf32, #tpu.memory_space<vmem>>, vector<64x128xf32>
    %dot_general3A_22 = arith.constant dense<0.000000e+00> : vector<1x64xf32>
    %dot_general3A_23 = tpu.matmul %get3A_18, %get3A_21, %dot_general3A_22 {dimension_numbers = #tpu.dot_dimension_numbers<[1], [1], [0], [0], [0, 0, 1, 0], [], []>, transpose_lhs_hint = false} : vector<1x128xf32>, vector<64x128xf32>, vector<1x64xf32> -> vector<1x64xf32>
    %get3A_24 = arith.constant 0 : index
    %get3A_25 = arith.constant 0 : index
    %get3A_26 = vector.load %arg5[%get3A_24, %get3A_25] : memref<1x64xf32, #tpu.memory_space<vmem>>, vector<1x64xf32>
    %add3A = arith.addf %dot_general3A_23, %get3A_26 : vector<1x64xf32>
    %get3A_27 = arith.constant 0 : index
    %get3A_28 = arith.constant 0 : index
    %get3A_29 = vector.load %arg3[%get3A_27, %get3A_28] : memref<64x64xf32, #tpu.memory_space<vmem>>, vector<64x64xf32>
    %dot_general3A_30 = arith.constant dense<0.000000e+00> : vector<1x64xf32>
    %dot_general3A_31 = tpu.matmul %add3A, %get3A_29, %dot_general3A_30 {dimension_numbers = #tpu.dot_dimension_numbers<[1], [1], [0], [0], [0, 0, 1, 0], [], []>, transpose_lhs_hint = false} : vector<1x64xf32>, vector<64x64xf32>, vector<1x64xf32> -> vector<1x64xf32>
    %get3A_32 = arith.constant 0 : index
    %get3A_33 = arith.constant 0 : index
    %get3A_34 = vector.load %arg6[%get3A_32, %get3A_33] : memref<1x64xf32, #tpu.memory_space<vmem>>, vector<1x64xf32>
    %add3A_35 = arith.addf %dot_general3A_31, %get3A_34 : vector<1x64xf32>
    %get3A_36 = arith.constant 0 : index
    %get3A_37 = arith.constant 0 : index
    %get3A_38 = vector.load %arg7[%get3A_36, %get3A_37] : memref<10240x2xf32, #tpu.memory_space<vmem>>, vector<10000x1xf32>
    %get3A_39 = arith.constant 0 : index
    %get3A_40 = arith.constant 1 : index
    %get3A_41 = vector.load %arg7[%get3A_39, %get3A_40] : memref<10240x2xf32, #tpu.memory_space<vmem>>, vector<10000x1xf32>
    %add3A_42 = arith.addf %get3A_38, %get3A_41 : vector<10000x1xf32>
    %add3A_43 = arith.constant 1.000000e+00 : f32
    %add3A_44 = vector.broadcast %add3A_43 : f32 to vector<10000x1xf32>
    %add3A_45 = arith.addf %add3A_42, %add3A_44 : vector<10000x1xf32>
    %rsqrt3A = math.rsqrt %add3A_45 : vector<10000x1xf32>
    %mul3A = vector.broadcast %rsqrt3A : vector<10000x1xf32> to vector<10000x64xf32>
    %mul3A_46 = arith.mulf %dot_general3A_15, %mul3A : vector<10000x64xf32>
    %swap3A = arith.constant 0 : index
    %swap3A_47 = arith.constant 0 : index
    %swap3A_48 = vector.load %arg8[%swap3A, %swap3A_47] : memref<10240x64xf32, #tpu.memory_space<vmem>>, vector<10000x64xf32>
    tpu.vector_store %arg8[%swap3A, %swap3A_47], %mul3A_46 {strides = array<i32>} : memref<10240x64xf32, #tpu.memory_space<vmem>>, vector<10000x64xf32>,
    %broadcast_in_dim3A = arith.constant 0.000000e+00 : f32
    %broadcast_in_dim3A_49 = vector.broadcast %broadcast_in_dim3A : f32 to vector<240x64xf32>
    %swap3A_50 = arith.constant 10000 : index
    %swap3A_51 = arith.constant 0 : index
    %swap3A_52 = vector.load %arg8[%swap3A_50, %swap3A_51] : memref<10240x64xf32, #tpu.memory_space<vmem>>, vector<240x64xf32>
    tpu.vector_store %arg8[%swap3A_50, %swap3A_51], %broadcast_in_dim3A_49 {strides = array<i32>} : memref<10240x64xf32, #tpu.memory_space<vmem>>, vector<240x64xf32>,
    %mul3A_53 = arith.mulf %rsqrt3A, %rsqrt3A : vector<10000x1xf32>
    %mul3A_54 = vector.broadcast %mul3A_53 : vector<10000x1xf32> to vector<10000x64xf32>
    %mul3A_55 = arith.mulf %dot_general3A_15, %mul3A_54 : vector<10000x64xf32>
    %add3A_56 = vector.broadcast %add3A_35 : vector<1x64xf32> to vector<10000x64xf32>
    %add3A_57 = arith.addf %mul3A_55, %add3A_56 : vector<10000x64xf32>
    %swap3A_58 = arith.constant 0 : index
    %swap3A_59 = arith.constant 0 : index
    %swap3A_60 = vector.load %arg9[%swap3A_58, %swap3A_59] : memref<10240x64xf32, #tpu.memory_space<vmem>>, vector<10000x64xf32>
    tpu.vector_store %arg9[%swap3A_58, %swap3A_59], %add3A_57 {strides = array<i32>} : memref<10240x64xf32, #tpu.memory_space<vmem>>, vector<10000x64xf32>,
    %broadcast_in_dim3A_61 = arith.constant 0.000000e+00 : f32
    %broadcast_in_dim3A_62 = vector.broadcast %broadcast_in_dim3A_61 : f32 to vector<240x64xf32>
    %swap3A_63 = arith.constant 10000 : index
    %swap3A_64 = arith.constant 0 : index
    %swap3A_65 = vector.load %arg9[%swap3A_63, %swap3A_64] : memref<10240x64xf32, #tpu.memory_space<vmem>>, vector<240x64xf32>
    tpu.vector_store %arg9[%swap3A_63, %swap3A_64], %broadcast_in_dim3A_62 {strides = array<i32>} : memref<10240x64xf32, #tpu.memory_space<vmem>>, vector<240x64xf32>,
    return
  }
}

module attributes {stable_mosaic.version = 14 : i64} {
  func.func @_combine_body(%arg0: memref<2x10240x64xf32, #tpu.memory_space<vmem>>, %arg1: memref<10240x2xf32, #tpu.memory_space<vmem>>, %arg2: memref<10240x64xf32, #tpu.memory_space<vmem>>, %arg3: memref<10000x64xf32, #tpu.memory_space<vmem>>) attributes {dimension_semantics = [], scalar_prefetch = 0 : i64, scratch_operands = 0 : i64, tpu.core_type = #tpu.core_type<tc>} {
    %get3A = arith.constant 0 : index
    %get3A_0 = arith.constant 0 : index
    %get3A_1 = vector.load %arg1[%get3A, %get3A_0] : memref<10240x2xf32, #tpu.memory_space<vmem>>, vector<10000x1xf32>
    %get3A_2 = arith.constant 0 : index
    %get3A_3 = arith.constant 1 : index
    %get3A_4 = vector.load %arg1[%get3A_2, %get3A_3] : memref<10240x2xf32, #tpu.memory_space<vmem>>, vector<10000x1xf32>
    %add3A = arith.addf %get3A_1, %get3A_4 : vector<10000x1xf32>
    %add3A_5 = arith.constant 1.000000e+00 : f32
    %add3A_6 = vector.broadcast %add3A_5 : f32 to vector<10000x1xf32>
    %add3A_7 = arith.addf %add3A, %add3A_6 : vector<10000x1xf32>
    %rsqrt3A = math.rsqrt %add3A_7 : vector<10000x1xf32>
    %get3A_8 = arith.constant 0 : index
    %get3A_9 = arith.constant 0 : index
    %get3A_10 = arith.constant 0 : index
    %get3A_11 = vector.load %arg0[%get3A_8, %get3A_9, %get3A_10] : memref<2x10240x64xf32, #tpu.memory_space<vmem>>, vector<1x10000x64xf32>
    %get3A_12 = vector.shape_cast %get3A_11 : vector<1x10000x64xf32> to vector<10000x64xf32>
    %get3A_13 = arith.constant 1 : index
    %get3A_14 = arith.constant 0 : index
    %get3A_15 = arith.constant 0 : index
    %get3A_16 = vector.load %arg0[%get3A_13, %get3A_14, %get3A_15] : memref<2x10240x64xf32, #tpu.memory_space<vmem>>, vector<1x10000x64xf32>
    %get3A_17 = vector.shape_cast %get3A_16 : vector<1x10000x64xf32> to vector<10000x64xf32>
    %add3A_18 = arith.addf %get3A_12, %get3A_17 : vector<10000x64xf32>
    %mul3A = vector.broadcast %rsqrt3A : vector<10000x1xf32> to vector<10000x64xf32>
    %mul3A_19 = arith.mulf %add3A_18, %mul3A : vector<10000x64xf32>
    %get3A_20 = arith.constant 0 : index
    %get3A_21 = arith.constant 0 : index
    %get3A_22 = vector.load %arg2[%get3A_20, %get3A_21] : memref<10240x64xf32, #tpu.memory_space<vmem>>, vector<10000x64xf32>
    %add3A_23 = arith.addf %mul3A_19, %get3A_22 : vector<10000x64xf32>
    %swap3A = arith.constant 0 : index
    %swap3A_24 = arith.constant 0 : index
    %swap3A_25 = vector.load %arg3[%swap3A, %swap3A_24] : memref<10000x64xf32, #tpu.memory_space<vmem>>, vector<10000x64xf32>
    tpu.vector_store %arg3[%swap3A, %swap3A_24], %add3A_23 {strides = array<i32>} : memref<10000x64xf32, #tpu.memory_space<vmem>>, vector<10000x64xf32>,
    return
  }
}

</mosaic_0001>

<sc_bundles>
// kernel: kernel.6.cloned.1.call-start
scs
__scs_entry_jumppad:
0x0: {  	(pc) =	sbr.rel $0x88, $3  }
0x1: {  	(tag) =	ssettag $0x0;
	lr =	simm.s32 $0x1  }
0x2: {  	[smem:$0x3F99] =	sst lr;
	_ =	strace $0xD0000000  }
0x3: {  	_ = 	snop  }
0x4: {  	_ = 	snop  }
0x5: {  	_ = 	snop  }
0x6: {  	_ = 	snop  }
0x7: {  	_ = 	snop  }
__scs_overlays_trampoline_lowered:
0x8: {  	[smem:$0x3FA8] =	sst s0  }
0x9: {  	[smem:$0x3FA9] =	sst s1  }
0xa: {  	[smem:$0x3FAA] =	sst s2  }
0xb: {  	[smem:$0x3FAB] =	sst s3  }
0xc: {  	[smem:$0x3FAC] =	sst s4  }
0xd: {  	[smem:$0x3FAD] =	sst s5  }
0xe: {  	[smem:$0x3FAE] =	sst s6  }
0xf: {  	[smem:$0x3FAF] =	sst s7  }
0x10: {  	[smem:$0x3FB0] =	sst s8  }
0x11: {  	[smem:$0x3FB1] =	sst s9;
	s0 =	simm.s32 @!p0 $0x0  }
0x12: {  	s1 =	sld [smem:$0x3F97];
	s0 =	simm.s32 @p0 $0x1  }
0x13: {  	[smem:$0x3FB2] =	sst s0;
	s0 =	simm.s32 @!p1 $0x0  }
0x14: {  	s2 =	sld [smem:$0x3F96];
	s0 =	simm.s32 @p1 $0x1  }
0x15: {  	[smem:$0x3FB3] =	sst s0;
	s0 =	simm.s32 @!p2 $0x0  }
0x16: {  	s3 =	sld [smem:$0x3FDB];
	s0 =	simm.s32 @p2 $0x1  }
0x17: {  	s4 =	simm.s32 $0x1BF5;
	[smem:$0x3FB5] =	sst s0  }
0x18: {  	s0 =	sld [smem:$0x3F98];
	_ =	swait.ge [sflag:s4], $0x0  }
0x19: {  	s7 =	sld [smem:$0x3F99]  }
0x1a: {  	s8 =	sadd.s32 $0xFFFFE003, lr  }
0x1b: {  	s9 =	sadd.s32 $0xFFFFFEF7, lr;
	s5 =	simm.s32 $0xFFFFFFFF;
	p2 =	slt.u32 s8, $0xFFFFF086  }
0x1c: {  	p1 =	slt.u32 s9, $0xF7A;
	s5 =	simm.s32 @!p2 $0x0  }
0x1d: {  	s5 =	simm.s32 @p1 $0x1;
	p0 =	seq.s32 s7, s2  }
0x1e: {  	s7 =	smul.u32 @!p0 $0xF7A, s2;
	p2 =	seq.s32 @!p0 s5, $0x0  }
0x1f: {  	s9 =	smul.u32 $0xF7A, s1;
	s8 =	simm.s32 @!p0 $0x1BF5;
	p2 =	por !p2, p0  }
0x20: {  	[sflag:s8] =	ssyncset.s32 @!p0 $0xFFFFF086;
	s6 =	sadd.s32 @!p0 s3, s7;
	s7 =	simm.s32 @!p0 $0x108  }
0x21: {  	s3 =	sadd.s32 s3, s9;
	s6 =	sadd.s32 @!p0 $0x88, s6;
	s7 =	simm.s32 @p2 $0x1082  }
0x22: {  	[simem:s7], [sflag:s8] =	dma.local @!p0 [hbm:s6], $0xF7A  }
0x23: {  	s9 =	sor.u32 $0xD0000000, s2;
	s6 =	simm.s32 $0x108;
	_ =	swait.ge @!p0 [sflag:s8], $0x0  }
0x24: {  	s3 =	sadd.s32 $0x88, s3;
	s6 =	simm.s32 @!p1 $0x1082;
	[sflag:s4] =	ssyncset.s32 $0xFFFFF086  }
0x25: {  	[simem:s6], [sflag:s4] =	dma.local [hbm:s3], $0xF7A  }
0x26: {  	[smem:$0x3F99] =	sst s1;
	(tag) =	ssettag s2;
	_ =	strace s9  }
0x27: {  	s1 =	sld [smem:$0x3FA9]  }
0x28: {  	s2 =	sld [smem:$0x3FAA]  }
0x29: {  	s4 =	sld [smem:$0x3FAC]  }
0x2a: {  	p0 =	seq.s32 s5, $0x0;
	s5 =	sld [smem:$0x3FAD]  }
0x2b: {  	s6 =	sld [smem:$0x3FAE]  }
0x2c: {  	s7 =	sld [smem:$0x3FAF]  }
0x2d: {  	s3 =	simm.s32 $0x108;
	s8 =	sld [smem:$0x3FB0]  }
0x2e: {  	s3 =	simm.s32 @!p0 $0x1082;
	s9 =	sld [smem:$0x3FB1]  }
0x2f: {  	lr =	sadd.s32 s0, s3;
	s0 =	sld [smem:$0x3FA8]  }
0x30: {  	s3 =	sld [smem:$0x3FAB]  }
0x31: {  	[smem:$0x3FB4] =	sst s10  }
0x32: {  	s10 =	sld [smem:$0x3FB2];
	_ =	sdelay $0x3  }
0x33: {  	p0 =	seq.s32 s10, $0x1;
	s10 =	sld [smem:$0x3FB4];
	_ =	sdelay $0x3  }
0x34: {  	[smem:$0x3FB4] =	sst s10  }
0x35: {  	s10 =	sld [smem:$0x3FB3];
	_ =	sdelay $0x3  }
0x36: {  	p1 =	seq.s32 s10, $0x1;
	s10 =	sld [smem:$0x3FB4];
	_ =	sdelay $0x3  }
0x37: {  	[smem:$0x3FB4] =	sst s10  }
0x38: {  	s10 =	sld [smem:$0x3FB5]  }
0x39: {  	_ = 	snop;
	(pc) =	sbr.ind lr, $3  }
0x3a: {  	_ = 	snop  }
0x3b: {  	_ = 	snop  }
0x3c: {  	p2 =	seq.s32 s10, $0x1;
	s10 =	sld [smem:$0x3FB4]  }
0x3d: {  	_ =	shalt  }
0x3e: {  	_ =	shalt  }
0x3f: {  	_ =	shalt  }
0x40: {  	_ =	shalt  }
0x41: {  	_ =	shalt  }
0x42: {  	_ =	shalt  }
0x43: {  	_ =	shalt  }
0x44: {  	_ =	shalt  }
0x45: {  	_ =	shalt  }
0x46: {  	_ =	shalt  }
0x47: {  	_ =	shalt  }
0x48: {  	_ =	shalt  }
0x49: {  	_ =	shalt  }
0x4a: {  	_ =	shalt  }
0x4b: {  	_ =	shalt  }
0x4c: {  	_ =	shalt  }
0x4d: {  	_ =	shalt  }
0x4e: {  	_ =	shalt  }
0x4f: {  	_ =	shalt  }
0x50: {  	_ =	shalt  }
0x51: {  	_ =	shalt  }
0x52: {  	_ =	shalt  }
0x53: {  	_ =	shalt  }
0x54: {  	_ =	shalt  }
0x55: {  	_ =	shalt  }
0x56: {  	_ =	shalt  }
0x57: {  	_ =	shalt  }
0x58: {  	_ =	shalt  }
0x59: {  	_ =	shalt  }
0x5a: {  	_ =	shalt  }
0x5b: {  	_ =	shalt  }
0x5c: {  	_ =	shalt  }
0x5d: {  	_ =	shalt  }
0x5e: {  	_ =	shalt  }
0x5f: {  	_ =	shalt  }
0x60: {  	_ =	shalt  }
0x61: {  	_ =	shalt  }
0x62: {  	_ =	shalt  }
0x63: {  	_ =	shalt  }
0x64: {  	_ =	shalt  }
0x65: {  	_ =	shalt  }
0x66: {  	_ =	shalt  }
0x67: {  	_ =	shalt  }
0x68: {  	_ =	shalt  }
0x69: {  	_ =	shalt  }
0x6a: {  	_ =	shalt  }
0x6b: {  	_ =	shalt  }
0x6c: {  	_ =	shalt  }
0x6d: {  	_ =	shalt  }
0x6e: {  	_ =	shalt  }
0x6f: {  	_ =	shalt  }
0x70: {  	_ =	shalt  }
0x71: {  	_ =	shalt  }
0x72: {  	_ =	shalt  }
0x73: {  	_ =	shalt  }
0x74: {  	_ =	shalt  }
0x75: {  	_ =	shalt  }
0x76: {  	_ =	shalt  }
0x77: {  	_ =	shalt  }
0x78: {  	_ =	shalt  }
0x79: {  	_ =	shalt  }
0x7a: {  	_ =	shalt  }
0x7b: {  	_ =	shalt  }
0x7c: {  	_ =	shalt  }
0x7d: {  	_ =	shalt  }
0x7e: {  	_ =	shalt  }
0x7f: {  	_ =	shalt  }
0x80: {  	_ =	shalt  }
0x81: {  	_ =	shalt  }
0x82: {  	_ =	shalt  }
0x83: {  	_ =	shalt  }
0x84: {  	_ =	shalt  }
0x85: {  	_ =	shalt  }
0x86: {  	_ =	shalt  }
0x87: {  	_ =	shalt  }
.Lfunc_end0:
.L_simem_size_0:
called_computation_lowered:
.L_overlay_start_0:
0x88: {  	s2 =	sld [smem:$0x3FD9]  }
0x89: {  	s3 =	sld [smem:$0x3FFE];
	_ =	sdelay $0x1  }
0x8a: {  	s1 =	srdreg.scid  }
0x8b: {  	s0 =	sand.u32 $0x1, s1  }
0x8c: {  	s17 =	sshll.u32 s0, $0xA;
	s2 =	sadd.s32 s3, s2  }
0x8d: {  	s2 =	sadd.s32 s2, s17  }
0x8e: {  	[smem:$0x3FC0] =	sst s2  }
0x8f: {  	_ = 	snop  }
0x90: {  	s2 =	sld [smem:$0x3FD0];
	(tm) =	ssettm $0x1  }
0x91: {  	s18 =	sld [smem:$0x3FFB];
	_ =	sdelay $0x3  }
0x92: {  	_ =	strace s18  }
0x93: {  	s3 =	sld [smem:$0x3FFC];
	_ =	sdelay $0x3  }
0x94: {  	_ =	strace s3  }
0x95: {  	s3 =	sld [smem:$0x3FFD];
	_ =	sdelay $0x3  }
0x96: {  	_ =	strace s3  }
0x97: {  	_ =	strace $0x8FFFFFFF  }
0x98: {  	s19 =	sld [smem:$0x3FDB];
	_ =	sdelay $0x1  }
0x99: {  	s4 =	simm.s32 $_scs_section_size  }
0x9a: {  	s5 =	simm.s32 $_size__tile_overlayer_lowered;
	s6 =	simm.s32 $_tile_overlayer_lowered  }
0x9b: {  	s22 =	simm.s32 $0x1BFF;
	s21 =	sshll.u32 s6, $0x1;
	s3 =	sadd.s32 s4, s19  }
0x9c: {  	s7 =	simm.s32 $0x0;
	s20 =	sshll.u32 s5, $0x1;
	s5 =	sadd.s32 s21, s3  }
0x9d: {  	[timem:s7], [sflag:s22] =	dma.local [hbm:s5], s20  }
0x9e: {  	_ =	swait.ge [sflag:s22], s20  }
0x9f: {  	s4 =	ssub.s32 $0x0, s20;
	[sflag:s22] =	ssyncset.done $0x0  }
0xa0: {  	[sflag:s22] =	ssyncadd.s32 s4;
	_ =	sdelay $0x1  }
0xa1: {  	s23 =	simm.s32 $0x1B8B  }
0xa2: {  	_ =	swait.ge [sflag:s23], $0x1  }
0xa3: {  	[sflag:s23] =	ssyncset.done $0x0  }
0xa4: {  	s25 =	simm.s32 $0x1B8E;
	s24 =	sld [smem:$0x3FFE];
	[sflag:s23] =	ssyncadd.s32 $0xFFFFFFFF  }
0xa5: {  	s26 =	simm.s32 $execute0_lowered;
	[smem:$0x3FD2] =	sst s25  }
0xa6: {  	s5 =	sshll.u32 s26, $0x1;
	_ =	strace $0x80000046;
	[dreg:$0x1] =	wrdreg $0xFFFFFFFF  }
0xa7: {  	s28 =	simm.s32 $_size_execute0_lowered;
	s3 =	sadd.s32 s3, s5;
	[dreg:$0x0] =	wrdreg $0x0  }
0xa8: {  	s5 =	sshll.u32 s28, $0x1;
	[dreg:$0x2] =	wrdreg s3  }
0xa9: {  	[dreg:$0x3] =	wrdreg s5  }
0xaa: {  	[dreg:$0x4] =	wrdreg $0xC0  }
0xab: {  	_ =	task [dreg:s7], $0x5FFFF  }
0xac: {  	[dreg:$0x1] =	wrdreg $0xFFFFFFFF  }
0xad: {  	[dreg:$0x0] =	wrdreg $0x60  }
0xae: {  	[dreg:$0x2] =	wrdreg s2  }
0xaf: {  	[dreg:$0x3] =	wrdreg s24  }
0xb0: {  	[dreg:$0x4] =	wrdreg $0x29000  }
0xb1: {  	[dreg:$0x5] =	wrdreg $0x9  }
0xb2: {  	_ =	task.clear_ibuf [dreg:s7], $0x6FFFF;
	_ =	strace $0x90000046  }
0xb3: {  	s29 =	simm.s32 $0x9;
	_ =	strace $0x80000048  }
0xb4: {  	_ =	swait.ge [sflag:s29], $0x1  }
0xb5: {  	[sflag:s29] =	ssyncadd.s32 $0xFFFFFFFF  }
0xb6: {  	_ =	strace $0x90000048  }
0xb7: {  	_ =	sfence  }
0xb8: {  	s30 =	sld [smem:$0x0];
	_ =	sdelay $0x2  }
0xb9: {  	s31 =	sshll.u32 s1, $0xD;
	s1 =	sshrl.u32 s1, $0x2  }
0xba: {  	s3 =	sand.u32 $0x4000, s31;
	s1 =	sadd.s32 s1, s30  }
0xbb: {  	s0 =	sor.u32 s3, s0;
	s1 =	sshll.u32 s1, $0x11  }
0xbc: {  	s0 =	sor.u32 s1, s0  }
0xbd: {  	s0 =	sadd.s32 $0x8F2B, s0  }
0xbe: {  	[sflag:s0] =	ssyncadd.remote.s32 $0x1  }
0xbf: {  	_ =	sfence.sel $0xFFFF  }
0xc0: {  	[dreg:$0x0] =	wrdreg $0xFFFFFFFF;
	(pc) =	sbr.abs _section_cstart, $3  }
0xc1: {  	[dreg:$0x1] =	wrdreg $0xFFFFFFFF  }
0xc2: {  	_ =	task.clear_ibuf [dreg:s7], $0x2FFFF;
	_ =	strace $0x9FFFFFFF  }
0xc3: {  	(tm) =	ssettm $0x7FFFFFFF  }
tec
execute0_lowered:
.L_overlay_start_1:
0x0: {  	(tag) =	ssettag $0x1  }
0x1: {  	s5 =	rddreg [dreg:$0x0]  }
0x2: {  	s4 =	rddreg [dreg:$0x1]  }
0x3: {  	s2 =	rddreg [dreg:$0x2]  }
0x4: {  	s0 =	rddreg [dreg:$0x3];
	s3 =	simm.s32 $0x0;
	s6 =	srdreg.scid  }
0x5: {  	s1 =	stileid.u32;
	s13 =	simm.s32 $0x2880;
	s14 =	simm.s32 $0x80  }
0x6: {  	s15 =	simm.s32 $0x2800;
	s16 =	simm.s32 $0x1;
	s19 =	simm.s32 $0x20  }
0x7: {  	s20 =	simm.s32 $0x10;
	s21 =	simm.s32 $0x0;
	s7 =	smul.u32 $0x500, s1  }
0x8: {  	[smem:$0x7FF] =	sst s3;
	s6 =	sand.u32 $0x1, s6;
	s9 =	smul.u32 $0xA00, s1  }
0x9: {  	s17 =	sshll.u32 s1, $0x6;
	_ =	strace $0x80000047;
	s8 =	sshll.u32 s6, $0x7  }
0xa: {  	s31 =	sshll.u32 s6, $0x4;
	s6 =	ssub.s32 $0x2, s6;
	s17 =	sor.u32 $0x1C02, s17  }
0xb: {  	s7 =	sor.u32 s8, s7;
	s8 =	sor.u32 s1, s31;
	s10 =	sshrl.u32 s6, $0x1  }
0xc: {  	s9 =	sshrl.u32 s9, $0x2;
	s7 =	sshrl.u32 s7, $0x3;
	s8 =	smul.u32 $0x500, s8  }
0xd: {  	s12 =	ssub.s32 s6, s10;
	s11 =	sadd.s32 s7, s4;
	s4 =	sadd.s32 s9, s2  }
0xe: {  	s5 =	sadd.s32 s5, s8;
	s6 =	sadd.s32 $0x80, s4;
	s7 =	sadd.s32 $0x100, s4  }
0xf: {  	s8 =	sadd.s32 $0x180, s4;
	s9 =	sadd.s32 $0x200, s4;
	s10 =	sadd.s32 $0xB600, s11  }
0x10: {  	v0 =	vimm.f32 $1.000000000e+00;
	v1 =	vimm.f32 $0.0e+00;
	s11 =	smax.u32 s12, $0x1;
	s12 =	simm.s32 $0x2;
	s18 =	sshrl.u32 s4, $0x3  }
.LBB2_1:
0x11: {  	[tilespmem:s3], [sflag:$0x2] =	stream.linear.gather [hbm4b:s5+s3], $0x2780, $0x38;
	[tilespmem:$0x2B80] =	vst v63  }
0x12: {  	_ =	swait.ge [sflag:s12], $0x2780  }
0x13: {  	[sflag:s12] =	ssyncset.done $0x0  }
0x14: {  	[sflag:s12] =	ssyncadd.s32 $0xFFFFD880  }
0x15: {  	[tilespmem:$0x2800] =	vst v0  }
0x16: {  	[tilespmem:$0x2880] =	vst v1  }
0x17: {  	[tilespmem:$0x2810] =	vst v0  }
0x18: {  	[tilespmem:$0x2890] =	vst v1  }
0x19: {  	[tilespmem:$0x2820] =	vst v0  }
0x1a: {  	[tilespmem:$0x28A0] =	vst v1  }
0x1b: {  	[tilespmem:$0x2830] =	vst v0  }
0x1c: {  	[tilespmem:$0x28B0] =	vst v1  }
0x1d: {  	[tilespmem:$0x2840] =	vst v0  }
0x1e: {  	[tilespmem:$0x28C0] =	vst v1  }
0x1f: {  	[tilespmem:$0x2850] =	vst v0  }
0x20: {  	[tilespmem:$0x28D0] =	vst v1  }
0x21: {  	[tilespmem:$0x2860] =	vst v0  }
0x22: {  	[tilespmem:$0x28E0] =	vst v1  }
0x23: {  	[tilespmem:$0x2870] =	vst v0  }
0x24: {  	[tilespmem:$0x28F0] =	vst v1  }
0x25: {  	[spmem:s4] =	stream.linear.scatter [tilespmem:s13], [sflag:$0x2], $0x80, $0x38;
	[tilespmem:$0x2B80] =	vst v63  }
0x26: {  	_ =	swait.ge [sflag:s12], $0x80  }
0x27: {  	[sflag:s12] =	ssyncset.done $0x0  }
0x28: {  	[sflag:s12] =	ssyncadd.s32 $0xFFFFFF80  }
0x29: {  	[spmem:s6] =	stream.linear.scatter [tilespmem:s13], [sflag:$0x2], $0x80, $0x38;
	[tilespmem:$0x2B80] =	vst v63  }
0x2a: {  	_ =	swait.ge [sflag:s12], $0x80  }
0x2b: {  	[sflag:s12] =	ssyncset.done $0x0  }
0x2c: {  	[sflag:s12] =	ssyncadd.s32 $0xFFFFFF80  }
0x2d: {  	[spmem:s7] =	stream.linear.scatter [tilespmem:s13], [sflag:$0x2], $0x80, $0x38;
	[tilespmem:$0x2B80] =	vst v63  }
0x2e: {  	_ =	swait.ge [sflag:s12], $0x80  }
0x2f: {  	[sflag:s12] =	ssyncset.done $0x0  }
0x30: {  	[sflag:s12] =	ssyncadd.s32 $0xFFFFFF80  }
0x31: {  	[spmem:s8] =	stream.linear.scatter [tilespmem:s13], [sflag:$0x2], $0x80, $0x38;
	[tilespmem:$0x2B80] =	vst v63  }
0x32: {  	_ =	swait.ge [sflag:s12], $0x80  }
0x33: {  	[sflag:s12] =	ssyncset.done $0x0  }
0x34: {  	[sflag:s12] =	ssyncadd.s32 $0xFFFFFF80  }
0x35: {  	[spmem:s9] =	stream.linear.scatter [tilespmem:s13], [sflag:$0x2], $0x80, $0x38;
	[tilespmem:$0x2B80] =	vst v63  }
0x36: {  	_ =	swait.ge [sflag:s12], $0x80  }
0x37: {  	[sflag:s12] =	ssyncset.done $0x0  }
0x38: {  	[sflag:s12] =	ssyncadd.s32 $0xFFFFFF80  }
0x39: {  	[bflag:$0x0] =	sbarrier.arrive $0xFFFF  }
0x3a: {  	[spmem:s2] =	stream.indirect.scatter.add.f32 [tilespmem:s15], [sflag:$0x1], $0x1, s3, s14, $0xb8;
	[tilespmem:$0x2B80] =	vst v63  }
0x3b: {  	s22 =	simm.s32 $0x80  }
0x3c: {  	[spmem:s2] =	stream.indirect.scatter.add.f32 [tilespmem:s15], [sflag:$0x1], $0x1, s22, s14, $0xb8;
	[tilespmem:$0x2B80] =	vst v63  }
0x3d: {  	_ =	swait.ge [sflag:s16], $0x80  }
0x3e: {  	s22 =	simm.s32 $0x400;
	[sflag:s16] =	ssyncset.done $0x0  }
.LBB2_2:
0x3f: {  	s23 =	sshra.s32 s22, $0x2;
	[sflag:s16] =	ssyncadd.s32 $0xFFFFFF80;
	p0 =	sne.s32 s22, $0x9C00  }
0x40: {  	[spmem:s2] =	stream.indirect.scatter.add.f32 [tilespmem:s15], [sflag:$0x1], $0x1, s23, s14, $0xb8;
	[tilespmem:$0x2B80] =	vst v63  }
.Ltmp0:
0x41: {  	_ = 	snop;
	(pc) =	sbr.rel @p0 .LBB2_2-.Ltmp0, $4  }
0x42: {  	_ = 	snop  }
0x43: {  	s22 =	sadd.s32 $0x200, s22  }
0x44: {  	_ =	swait.ge [sflag:s16], $0x80  }
0x45: {  	[sflag:s16] =	ssyncset.done $0x0  }
0x46: {  	[sflag:s16] =	ssyncadd.s32 $0xFFFFFF80  }
0x47: {  	_ =	swait.ge [sflag:s16], $0x80  }
0x48: {  	s21 =	sadd.s32 $0x1, s21;
	[sflag:s16] =	ssyncset.done $0x0  }
0x49: {  	p0 =	sne.s32 s21, s11;
	[sflag:s16] =	ssyncadd.s32 $0xFFFFFF80  }
.Ltmp1:
0x4a: {  	[bflag:$0x0] =	sbarrier.arrive $0xFFFF;
	(pc) =	sbr.rel @p0 .LBB2_1-.Ltmp1, $4  }
0x4b: {  	[hbm:s10@s19], [sflag:s17] =	dma.strided [spmem:s18@s20], $0x50, s16, $0x10   }
0x4c: {  	_ =	swait.ge [sflag:s12], $0x50  }
0x4d: {  	[sflag:s12] =	ssyncset.done $0x0  }
0x4e: {  	[sflag:s12] =	ssyncadd.s32 $0xFFFFFFB0  }
0x4f: {  	_ =	sfence.sel $0x180000  }
0x50: {  	[bflag:$0x0] =	sbarrier.arrive $0xFFFF  }
0x51: {  	p0 =	sne.s32 s1, $0x0;
	_ =	strace $0x90000047  }
0x52: {  	s0 =	sadd.s32 @!p0 $0x100000, s0;
	[bflag:$0x2] =	sbarrier.arrive $0xFFFF  }
0x53: {  	[sflag:s0] =	ssyncadd.tile.s32 @!p0 $0x1;
	_ =	shalt  }
.Lfunc_end2:
_tile_overlayer_lowered:
.L_overlay_start_2:
0x54: {  	(tag) =	ssettag $0x2  }
0x55: {  	s0 =	rddreg [dreg:$0x0];
	s2 =	stileid.u32  }
0x56: {  	s1 =	rddreg [dreg:$0x1];
	p0 =	sne.s32 s2, $0x0  }
0x57: {  	s3 =	rddreg [dreg:$0x2];
	[bflag:$0x3] =	sbarrier.arrive $0xFFFF;
	s2 =	simm.s32 @!p0 $0x1C02  }
0x58: {  	[timem:s3], [sflag:s2] =	dma.local @!p0 [hbm:s0], s1  }
0x59: {  	s0 =	simm.s32 @!p0 $0x2  }
0x5a: {  	_ =	swait.ge @!p0 [sflag:s0], s1  }
0x5b: {  	s1 =	ssub.s32 @!p0 $0x0, s1;
	[sflag:s0] =	ssyncset.done @!p0 $0x0  }
0x5c: {  	[sflag:s0] =	ssyncadd.s32 @!p0 s1  }
0x5d: {  	[bflag:$0x3] =	sbarrier.arrive $0xFFFF  }
0x5e: {  	_ =	shalt  }

// kernel: kernel.9.cloned.1.call-start
scs
__scs_entry_jumppad:
0x0: {  	(pc) =	sbr.rel $0x88, $3  }
0x1: {  	(tag) =	ssettag $0x0;
	lr =	simm.s32 $0x1  }
0x2: {  	[smem:$0x3F99] =	sst lr;
	_ =	strace $0xD0000000  }
0x3: {  	_ = 	snop  }
0x4: {  	_ = 	snop  }
0x5: {  	_ = 	snop  }
0x6: {  	_ = 	snop  }
0x7: {  	_ = 	snop  }
__scs_overlays_trampoline_lowered:
0x8: {  	[smem:$0x3FA8] =	sst s0  }
0x9: {  	[smem:$0x3FA9] =	sst s1  }
0xa: {  	[smem:$0x3FAA] =	sst s2  }
0xb: {  	[smem:$0x3FAB] =	sst s3  }
0xc: {  	[smem:$0x3FAC] =	sst s4  }
0xd: {  	[smem:$0x3FAD] =	sst s5  }
0xe: {  	[smem:$0x3FAE] =	sst s6  }
0xf: {  	[smem:$0x3FAF] =	sst s7  }
0x10: {  	[smem:$0x3FB0] =	sst s8  }
0x11: {  	[smem:$0x3FB1] =	sst s9;
	s0 =	simm.s32 @!p0 $0x0  }
0x12: {  	s1 =	sld [smem:$0x3F97];
	s0 =	simm.s32 @p0 $0x1  }
0x13: {  	[smem:$0x3FB2] =	sst s0;
	s0 =	simm.s32 @!p1 $0x0  }
0x14: {  	s2 =	sld [smem:$0x3F96];
	s0 =	simm.s32 @p1 $0x1  }
0x15: {  	[smem:$0x3FB3] =	sst s0;
	s0 =	simm.s32 @!p2 $0x0  }
0x16: {  	s3 =	sld [smem:$0x3FDB];
	s0 =	simm.s32 @p2 $0x1  }
0x17: {  	s4 =	simm.s32 $0x1BF5;
	[smem:$0x3FB5] =	sst s0  }
0x18: {  	s0 =	sld [smem:$0x3F98];
	_ =	swait.ge [sflag:s4], $0x0  }
0x19: {  	s7 =	sld [smem:$0x3F99]  }
0x1a: {  	s8 =	sadd.s32 $0xFFFFE003, lr  }
0x1b: {  	s9 =	sadd.s32 $0xFFFFFEF7, lr;
	s5 =	simm.s32 $0xFFFFFFFF;
	p2 =	slt.u32 s8, $0xFFFFF086  }
0x1c: {  	p1 =	slt.u32 s9, $0xF7A;
	s5 =	simm.s32 @!p2 $0x0  }
0x1d: {  	s5 =	simm.s32 @p1 $0x1;
	p0 =	seq.s32 s7, s2  }
0x1e: {  	s7 =	smul.u32 @!p0 $0xF7A, s2;
	p2 =	seq.s32 @!p0 s5, $0x0  }
0x1f: {  	s9 =	smul.u32 $0xF7A, s1;
	s8 =	simm.s32 @!p0 $0x1BF5;
	p2 =	por !p2, p0  }
0x20: {  	[sflag:s8] =	ssyncset.s32 @!p0 $0xFFFFF086;
	s6 =	sadd.s32 @!p0 s3, s7;
	s7 =	simm.s32 @!p0 $0x108  }
0x21: {  	s3 =	sadd.s32 s3, s9;
	s6 =	sadd.s32 @!p0 $0x88, s6;
	s7 =	simm.s32 @p2 $0x1082  }
0x22: {  	[simem:s7], [sflag:s8] =	dma.local @!p0 [hbm:s6], $0xF7A  }
0x23: {  	s9 =	sor.u32 $0xD0000000, s2;
	s6 =	simm.s32 $0x108;
	_ =	swait.ge @!p0 [sflag:s8], $0x0  }
0x24: {  	s3 =	sadd.s32 $0x88, s3;
	s6 =	simm.s32 @!p1 $0x1082;
	[sflag:s4] =	ssyncset.s32 $0xFFFFF086  }
0x25: {  	[simem:s6], [sflag:s4] =	dma.local [hbm:s3], $0xF7A  }
0x26: {  	[smem:$0x3F99] =	sst s1;
	(tag) =	ssettag s2;
	_ =	strace s9  }
0x27: {  	s1 =	sld [smem:$0x3FA9]  }
0x28: {  	s2 =	sld [smem:$0x3FAA]  }
0x29: {  	s4 =	sld [smem:$0x3FAC]  }
0x2a: {  	p0 =	seq.s32 s5, $0x0;
	s5 =	sld [smem:$0x3FAD]  }
0x2b: {  	s6 =	sld [smem:$0x3FAE]  }
0x2c: {  	s7 =	sld [smem:$0x3FAF]  }
0x2d: {  	s3 =	simm.s32 $0x108;
	s8 =	sld [smem:$0x3FB0]  }
0x2e: {  	s3 =	simm.s32 @!p0 $0x1082;
	s9 =	sld [smem:$0x3FB1]  }
0x2f: {  	lr =	sadd.s32 s0, s3;
	s0 =	sld [smem:$0x3FA8]  }
0x30: {  	s3 =	sld [smem:$0x3FAB]  }
0x31: {  	[smem:$0x3FB4] =	sst s10  }
0x32: {  	s10 =	sld [smem:$0x3FB2];
	_ =	sdelay $0x3  }
0x33: {  	p0 =	seq.s32 s10, $0x1;
	s10 =	sld [smem:$0x3FB4];
	_ =	sdelay $0x3  }
0x34: {  	[smem:$0x3FB4] =	sst s10  }
0x35: {  	s10 =	sld [smem:$0x3FB3];
	_ =	sdelay $0x3  }
0x36: {  	p1 =	seq.s32 s10, $0x1;
	s10 =	sld [smem:$0x3FB4];
	_ =	sdelay $0x3  }
0x37: {  	[smem:$0x3FB4] =	sst s10  }
0x38: {  	s10 =	sld [smem:$0x3FB5]  }
0x39: {  	_ = 	snop;
	(pc) =	sbr.ind lr, $3  }
0x3a: {  	_ = 	snop  }
0x3b: {  	_ = 	snop  }
0x3c: {  	p2 =	seq.s32 s10, $0x1;
	s10 =	sld [smem:$0x3FB4]  }
0x3d: {  	_ =	shalt  }
0x3e: {  	_ =	shalt  }
0x3f: {  	_ =	shalt  }
0x40: {  	_ =	shalt  }
0x41: {  	_ =	shalt  }
0x42: {  	_ =	shalt  }
0x43: {  	_ =	shalt  }
0x44: {  	_ =	shalt  }
0x45: {  	_ =	shalt  }
0x46: {  	_ =	shalt  }
0x47: {  	_ =	shalt  }
0x48: {  	_ =	shalt  }
0x49: {  	_ =	shalt  }
0x4a: {  	_ =	shalt  }
0x4b: {  	_ =	shalt  }
0x4c: {  	_ =	shalt  }
0x4d: {  	_ =	shalt  }
0x4e: {  	_ =	shalt  }
0x4f: {  	_ =	shalt  }
0x50: {  	_ =	shalt  }
0x51: {  	_ =	shalt  }
0x52: {  	_ =	shalt  }
0x53: {  	_ =	shalt  }
0x54: {  	_ =	shalt  }
0x55: {  	_ =	shalt  }
0x56: {  	_ =	shalt  }
0x57: {  	_ =	shalt  }
0x58: {  	_ =	shalt  }
0x59: {  	_ =	shalt  }
0x5a: {  	_ =	shalt  }
0x5b: {  	_ =	shalt  }
0x5c: {  	_ =	shalt  }
0x5d: {  	_ =	shalt  }
0x5e: {  	_ =	shalt  }
0x5f: {  	_ =	shalt  }
0x60: {  	_ =	shalt  }
0x61: {  	_ =	shalt  }
0x62: {  	_ =	shalt  }
0x63: {  	_ =	shalt  }
0x64: {  	_ =	shalt  }
0x65: {  	_ =	shalt  }
0x66: {  	_ =	shalt  }
0x67: {  	_ =	shalt  }
0x68: {  	_ =	shalt  }
0x69: {  	_ =	shalt  }
0x6a: {  	_ =	shalt  }
0x6b: {  	_ =	shalt  }
0x6c: {  	_ =	shalt  }
0x6d: {  	_ =	shalt  }
0x6e: {  	_ =	shalt  }
0x6f: {  	_ =	shalt  }
0x70: {  	_ =	shalt  }
0x71: {  	_ =	shalt  }
0x72: {  	_ =	shalt  }
0x73: {  	_ =	shalt  }
0x74: {  	_ =	shalt  }
0x75: {  	_ =	shalt  }
0x76: {  	_ =	shalt  }
0x77: {  	_ =	shalt  }
0x78: {  	_ =	shalt  }
0x79: {  	_ =	shalt  }
0x7a: {  	_ =	shalt  }
0x7b: {  	_ =	shalt  }
0x7c: {  	_ =	shalt  }
0x7d: {  	_ =	shalt  }
0x7e: {  	_ =	shalt  }
0x7f: {  	_ =	shalt  }
0x80: {  	_ =	shalt  }
0x81: {  	_ =	shalt  }
0x82: {  	_ =	shalt  }
0x83: {  	_ =	shalt  }
0x84: {  	_ =	shalt  }
0x85: {  	_ =	shalt  }
0x86: {  	_ =	shalt  }
0x87: {  	_ =	shalt  }
.Lfunc_end0:
.L_simem_size_0:
called_computation.1_lowered:
.L_overlay_start_0:
0x88: {  	s2 =	sld [smem:$0x3FD9]  }
0x89: {  	s3 =	sld [smem:$0x3FFE];
	_ =	sdelay $0x1  }
0x8a: {  	s1 =	srdreg.scid  }
0x8b: {  	s0 =	sand.u32 $0x1, s1  }
0x8c: {  	s16 =	sshll.u32 s0, $0xA;
	s2 =	sadd.s32 s3, s2  }
0x8d: {  	s2 =	sadd.s32 s2, s16  }
0x8e: {  	[smem:$0x3FC0] =	sst s2  }
0x8f: {  	_ = 	snop  }
0x90: {  	(tm) =	ssettm $0x1  }
0x91: {  	s17 =	sld [smem:$0x3FFB];
	_ =	sdelay $0x3  }
0x92: {  	_ =	strace s17  }
0x93: {  	s2 =	sld [smem:$0x3FFC];
	_ =	sdelay $0x3  }
0x94: {  	_ =	strace s2  }
0x95: {  	s2 =	sld [smem:$0x3FFD];
	_ =	sdelay $0x3  }
0x96: {  	_ =	strace s2  }
0x97: {  	_ =	strace $0x8FFFFFFF  }
0x98: {  	s18 =	sld [smem:$0x3FDB];
	_ =	sdelay $0x1  }
0x99: {  	s19 =	simm.s32 $_scs_section_size  }
0x9a: {  	s4 =	simm.s32 $_size__tile_overlayer_lowered;
	s5 =	simm.s32 $_tile_overlayer_lowered  }
0x9b: {  	s22 =	simm.s32 $0x1BFF;
	s21 =	sshll.u32 s5, $0x1;
	s2 =	sadd.s32 s19, s18  }
0x9c: {  	s6 =	simm.s32 $0x0;
	s20 =	sshll.u32 s4, $0x1;
	s4 =	sadd.s32 s21, s2  }
0x9d: {  	[timem:s6], [sflag:s22] =	dma.local [hbm:s4], s20  }
0x9e: {  	_ =	swait.ge [sflag:s22], s20  }
0x9f: {  	s3 =	ssub.s32 $0x0, s20;
	[sflag:s22] =	ssyncset.done $0x0  }
0xa0: {  	[sflag:s22] =	ssyncadd.s32 s3;
	_ =	sdelay $0x1  }
0xa1: {  	s23 =	simm.s32 $0x1B8B  }
0xa2: {  	_ =	swait.ge [sflag:s23], $0x1  }
0xa3: {  	[sflag:s23] =	ssyncset.done $0x0  }
0xa4: {  	s25 =	simm.s32 $0x1B8E;
	s24 =	sld [smem:$0x3FFE];
	[sflag:s23] =	ssyncadd.s32 $0xFFFFFFFF  }
0xa5: {  	s26 =	simm.s32 $execute0_lowered;
	[smem:$0x3FD2] =	sst s25  }
0xa6: {  	s4 =	sshll.u32 s26, $0x1;
	_ =	strace $0x80000049;
	[dreg:$0x1] =	wrdreg $0xFFFFFFFF  }
0xa7: {  	s28 =	simm.s32 $_size_execute0_lowered;
	s2 =	sadd.s32 s2, s4;
	[dreg:$0x0] =	wrdreg $0x0  }
0xa8: {  	s4 =	sshll.u32 s28, $0x1;
	[dreg:$0x2] =	wrdreg s2  }
0xa9: {  	[dreg:$0x3] =	wrdreg s4  }
0xaa: {  	[dreg:$0x4] =	wrdreg $0xC0  }
0xab: {  	_ =	task [dreg:s6], $0x5FFFF  }
0xac: {  	[dreg:$0x1] =	wrdreg $0xFFFFFFFF  }
0xad: {  	[dreg:$0x0] =	wrdreg $0x60  }
0xae: {  	[dreg:$0x2] =	wrdreg s24  }
0xaf: {  	[dreg:$0x3] =	wrdreg $0x8F000  }
0xb0: {  	[dreg:$0x4] =	wrdreg $0x12F000  }
0xb1: {  	[dreg:$0x5] =	wrdreg $0x9  }
0xb2: {  	_ =	task.clear_ibuf [dreg:s6], $0x6FFFF;
	_ =	strace $0x90000049  }
0xb3: {  	s29 =	simm.s32 $0x9;
	_ =	strace $0x8000004B  }
0xb4: {  	_ =	swait.ge [sflag:s29], $0x1  }
0xb5: {  	[sflag:s29] =	ssyncadd.s32 $0xFFFFFFFF  }
0xb6: {  	_ =	strace $0x9000004B  }
0xb7: {  	_ =	sfence  }
0xb8: {  	s30 =	sld [smem:$0x0];
	_ =	sdelay $0x2  }
0xb9: {  	s31 =	sshll.u32 s1, $0xD;
	s1 =	sshrl.u32 s1, $0x2  }
0xba: {  	s3 =	sand.u32 $0x4000, s31;
	s1 =	sadd.s32 s1, s30  }
0xbb: {  	s0 =	sor.u32 s3, s0;
	s1 =	sshll.u32 s1, $0x11  }
0xbc: {  	s0 =	sor.u32 s1, s0  }
0xbd: {  	s0 =	sadd.s32 $0x8F2B, s0  }
0xbe: {  	[sflag:s0] =	ssyncadd.remote.s32 $0x1  }
0xbf: {  	_ =	sfence.sel $0xFFFF  }
0xc0: {  	[dreg:$0x0] =	wrdreg $0xFFFFFFFF;
	(pc) =	sbr.abs _section_cstart, $3  }
0xc1: {  	[dreg:$0x1] =	wrdreg $0xFFFFFFFF  }
0xc2: {  	_ =	task.clear_ibuf [dreg:s6], $0x2FFFF;
	_ =	strace $0x9FFFFFFF  }
0xc3: {  	(tm) =	ssettm $0x7FFFFFFF  }
tec
execute0_lowered:
.L_overlay_start_1:
0x0: {  	(tag) =	ssettag $0x1  }
0x1: {  	s6 =	rddreg [dreg:$0x0]  }
0x2: {  	s2 =	rddreg [dreg:$0x1]  }
0x3: {  	s0 =	srdreg.scid;
	s3 =	rddreg [dreg:$0x2];
	s4 =	simm.s32 $0x0  }
0x4: {  	s15 =	simm.s32 $0x3;
	s16 =	simm.s32 $0x2780;
	s19 =	simm.s32 $0x4F00  }
0x5: {  	s20 =	simm.s32 $0x80;
	s21 =	simm.s32 $0x6F00;
	s22 =	simm.s32 $0x1  }
0x6: {  	s23 =	simm.s32 $0x2;
	s5 =	sand.u32 $0x1, s0;
	s0 =	stileid.u32  }
0x7: {  	s24 =	simm.s32 $0x4E80;
	s25 =	simm.s32 $0x0;
	s8 =	smul.u32 $0xA000, s0  }
0x8: {  	[smem:$0x7FF] =	sst s4;
	s1 =	sshll.u32 s5, $0x4;
	s9 =	smul.u32 $0xA0000, s5  }
0x9: {  	s5 =	ssub.s32 $0x2, s5;
	s12 =	smul.u32 $0x28000, s0;
	s17 =	sshll.u32 s0, $0x6  }
0xa: {  	s1 =	sor.u32 s0, s1;
	s11 =	sshrl.u32 s5, $0x1;
	s17 =	sor.u32 $0x1C03, s17  }
0xb: {  	s7 =	smul.u32 $0x4F0, s1;
	s1 =	rddreg [dreg:$0x3];
	_ =	strace $0x8000004A  }
0xc: {  	s10 =	sshrl.u32 s8, $0x3;
	s9 =	sadd.s32 s8, s9;
	s14 =	ssub.s32 s5, s11  }
0xd: {  	s18 =	sadd.s32 s8, s2;
	s31 =	sshrl.u32 s12, $0x2;
	s8 =	sadd.s32 s8, s3  }
0xe: {  	s10 =	sadd.s32 s10, s6;
	s9 =	sshrl.u32 s9, $0x3;
	s12 =	sadd.s32 s31, s3  }
0xf: {  	s14 =	smax.u32 s14, $0x1;
	s18 =	sshrl.u32 s18, $0x3;
	s7 =	sadd.s32 s7, s6  }
0x10: {  	s13 =	sadd.s32 s9, s6;
	s9 =	sadd.s32 $0x2000, s12;
	s11 =	sadd.s32 $0x6000, s12  }
0x11: {  	s5 =	sadd.s32 $0xC000, s7;
	s6 =	sadd.s32 $0x1800, s7;
	s7 =	sadd.s32 $0x15E00, s10  }
0x12: {  	v0 =	vimm.f32 $0.0e+00;
	s10 =	sadd.s32 $0x4000, s12;
	s12 =	sadd.s32 $0x8000, s12;
	s13 =	sadd.s32 $0x29E00, s13  }
.LBB2_1:
0x13: {  	[tilespmem:s4], [sflag:$0x3] =	stream.linear.gather [hbm4b:s5+s4], $0x2780, $0x38;
	[tilespmem:$0x1CF00] =	vst v63  }
0x14: {  	_ =	swait.ge [sflag:s15], $0x2780  }
0x15: {  	[sflag:s15] =	ssyncset.done $0x0  }
0x16: {  	[sflag:s15] =	ssyncadd.s32 $0xFFFFD880  }
0x17: {  	[tilespmem:s16], [sflag:$0x3] =	stream.linear.gather [hbm4b:s6+s4], $0x2780, $0x38;
	[tilespmem:$0x1CF00] =	vst v63  }
0x18: {  	_ =	swait.ge [sflag:s15], $0x2780  }
0x19: {  	[sflag:s15] =	ssyncset.done $0x0  }
0x1a: {  	[sflag:s15] =	ssyncadd.s32 $0xFFFFD880  }
0x1b: {  	[spmem:s18], [sflag:s17] =	dma.local [hbm:s7], $0x1400  }
0x1c: {  	_ =	swait.ge [sflag:s15], $0x1400  }
0x1d: {  	[sflag:s15] =	ssyncset.done $0x0  }
0x1e: {  	s28 =	simm.s32 $0x100;
	s26 =	simm.s32 $0x0;
	[sflag:s15] =	ssyncadd.s32 $0xFFFFEC00  }
.LBB2_2:
0x1f: {  	p0 =	sne.s32 s28, $0x7F00;
	[tilespmem:s26+$0x4F30] =	vst v0;
	s29 =	smov.u32 s28;
	s28 =	sadd.s32 $0x100, s28  }
.Ltmp0:
0x20: {  	[tilespmem:s26+$0x4F20] =	vst v0;
	(pc) =	sbr.rel @p0 .LBB2_2-.Ltmp0, $3  }
0x21: {  	[tilespmem:s26+$0x4F00] =	vst v0  }
0x22: {  	[tilespmem:s26+$0x4F10] =	vst v0;
	_ =	sdelay $0x1  }
0x23: {  	s26 =	sshra.s32 s29, $0x2  }
0x24: {  	[tilespmem:s26+$0x4F30] =	vst v0  }
0x25: {  	[tilespmem:s26+$0x4F20] =	vst v0  }
0x26: {  	[tilespmem:s26+$0x4F00] =	vst v0  }
0x27: {  	[tilespmem:s26+$0x4F10] =	vst v0  }
0x28: {  	[spmem:s8] =	stream.linear.scatter [tilespmem:s19], [sflag:$0x3], $0x2000, $0x38;
	[tilespmem:$0x1CF00] =	vst v63  }
0x29: {  	_ =	swait.ge [sflag:s15], $0x2000  }
0x2a: {  	[sflag:s15] =	ssyncset.done $0x0  }
0x2b: {  	[sflag:s15] =	ssyncadd.s32 $0xFFFFE000  }
0x2c: {  	[spmem:s9] =	stream.linear.scatter [tilespmem:s19], [sflag:$0x3], $0x2000, $0x38;
	[tilespmem:$0x1CF00] =	vst v63  }
0x2d: {  	_ =	swait.ge [sflag:s15], $0x2000  }
0x2e: {  	[sflag:s15] =	ssyncset.done $0x0  }
0x2f: {  	[sflag:s15] =	ssyncadd.s32 $0xFFFFE000  }
0x30: {  	[spmem:s10] =	stream.linear.scatter [tilespmem:s19], [sflag:$0x3], $0x2000, $0x38;
	[tilespmem:$0x1CF00] =	vst v63  }
0x31: {  	_ =	swait.ge [sflag:s15], $0x2000  }
0x32: {  	[sflag:s15] =	ssyncset.done $0x0  }
0x33: {  	[sflag:s15] =	ssyncadd.s32 $0xFFFFE000  }
0x34: {  	[spmem:s11] =	stream.linear.scatter [tilespmem:s19], [sflag:$0x3], $0x2000, $0x38;
	[tilespmem:$0x1CF00] =	vst v63  }
0x35: {  	_ =	swait.ge [sflag:s15], $0x2000  }
0x36: {  	[sflag:s15] =	ssyncset.done $0x0  }
0x37: {  	[sflag:s15] =	ssyncadd.s32 $0xFFFFE000  }
0x38: {  	[spmem:s12] =	stream.linear.scatter [tilespmem:s19], [sflag:$0x3], $0x2000, $0x38;
	[tilespmem:$0x1CF00] =	vst v63  }
0x39: {  	_ =	swait.ge [sflag:s15], $0x2000  }
0x3a: {  	[sflag:s15] =	ssyncset.done $0x0  }
0x3b: {  	[sflag:s15] =	ssyncadd.s32 $0xFFFFE000  }
0x3c: {  	s30 =	simm.s32 $0x0;
	[bflag:$0x0] =	sbarrier.arrive $0xFFFF  }
0x3d: {  	[tilespmem:s19], [sflag:$0x1] =	stream.indirect.gather [spmem:s2], $0x40, s30, s20, $0xb8;
	[tilespmem:$0x1CF00] =	vst v63  }
0x3e: {  	s31 =	simm.s32 $0x80  }
0x3f: {  	[tilespmem:s21], [sflag:$0x2] =	stream.indirect.gather [spmem:s2], $0x40, s31, s20, $0xb8;
	[tilespmem:$0x1CF00] =	vst v63  }
0x40: {  	_ =	swait.ge [sflag:s22], $0x2000  }
0x41: {  	[sflag:s22] =	ssyncset.done $0x0  }
0x42: {  	s29 =	simm.s32 $0x2780;
	[sflag:s22] =	ssyncadd.s32 $0xFFFFE000  }
0x43: {  	[spmem:s3] =	stream.indirect.scatter.add.f32 [tilespmem:s19], [sflag:$0x3], $0x40, s29, s20, $0xb8;
	[tilespmem:$0x1CF00] =	vst v63  }
0x44: {  	_ =	swait.ge [sflag:s15], $0x2000  }
0x45: {  	[sflag:s15] =	ssyncset.done $0x0  }
0x46: {  	s30 =	simm.s32 $0x100;
	[sflag:s15] =	ssyncadd.s32 $0xFFFFE000  }
0x47: {  	[tilespmem:s19], [sflag:$0x1] =	stream.indirect.gather [spmem:s2], $0x40, s30, s20, $0xb8;
	[tilespmem:$0x1CF00] =	vst v63  }
0x48: {  	_ =	swait.ge [sflag:s23], $0x2000  }
0x49: {  	[sflag:s23] =	ssyncset.done $0x0  }
0x4a: {  	s31 =	simm.s32 $0x2800;
	[sflag:s23] =	ssyncadd.s32 $0xFFFFE000  }
0x4b: {  	[spmem:s3] =	stream.indirect.scatter.add.f32 [tilespmem:s21], [sflag:$0x3], $0x40, s31, s20, $0xb8;
	[tilespmem:$0x1CF00] =	vst v63  }
0x4c: {  	_ =	swait.ge [sflag:s15], $0x2000  }
0x4d: {  	s28 =	simm.s32 $0x800;
	s26 =	simm.s32 $0x100;
	[sflag:s15] =	ssyncset.done $0x0  }
.LBB2_4:
0x4e: {  	s29 =	sadd.s32 $0x80, s26  }
0x4f: {  	[sflag:s15] =	ssyncadd.s32 $0xFFFFE000;
	s30 =	smov.u32 s28;
	s31 =	sadd.s32 $0x400, s28  }
0x50: {  	[tilespmem:s21], [sflag:$0x2] =	stream.indirect.gather [spmem:s2], $0x40, s29, s20, $0xb8;
	[tilespmem:$0x1CF00] =	vst v63  }
0x51: {  	p0 =	sne.s32 s28, $0x9800;
	_ =	swait.ge [sflag:s22], $0x2000  }
0x52: {  	[sflag:s22] =	ssyncset.done $0x0  }
0x53: {  	s28 =	sadd.s32 $0x2780, s26;
	[sflag:s22] =	ssyncadd.s32 $0xFFFFE000  }
0x54: {  	[spmem:s3] =	stream.indirect.scatter.add.f32 [tilespmem:s19], [sflag:$0x3], $0x40, s28, s20, $0xb8;
	[tilespmem:$0x1CF00] =	vst v63  }
0x55: {  	_ =	swait.ge [sflag:s15], $0x2000  }
0x56: {  	[sflag:s15] =	ssyncset.done $0x0  }
0x57: {  	s28 =	sadd.s32 $0x100, s26;
	[sflag:s15] =	ssyncadd.s32 $0xFFFFE000  }
0x58: {  	[tilespmem:s19], [sflag:$0x1] =	stream.indirect.gather [spmem:s2], $0x40, s28, s20, $0xb8;
	[tilespmem:$0x1CF00] =	vst v63  }
0x59: {  	_ =	swait.ge [sflag:s23], $0x2000  }
.Ltmp1:
0x5a: {  	[sflag:s23] =	ssyncset.done $0x0;
	(pc) =	sbr.rel @p0 .LBB2_4-.Ltmp1, $4  }
0x5b: {  	s26 =	sadd.s32 $0x2800, s26;
	[sflag:s23] =	ssyncadd.s32 $0xFFFFE000  }
0x5c: {  	[spmem:s3] =	stream.indirect.scatter.add.f32 [tilespmem:s21], [sflag:$0x3], $0x40, s26, s20, $0xb8;
	[tilespmem:$0x1CF00] =	vst v63  }
0x5d: {  	_ =	swait.ge [sflag:s15], $0x2000  }
0x5e: {  	s28 =	smov.u32 s31;
	s26 =	sshra.s32 s30, $0x2;
	[sflag:s15] =	ssyncset.done $0x0  }
0x5f: {  	s28 =	sadd.s32 $0x80, s26;
	[sflag:s15] =	ssyncadd.s32 $0xFFFFE000  }
0x60: {  	[tilespmem:s21], [sflag:$0x2] =	stream.indirect.gather [spmem:s2], $0x40, s28, s20, $0xb8;
	[tilespmem:$0x1CF00] =	vst v63  }
0x61: {  	_ =	swait.ge [sflag:s22], $0x2000  }
0x62: {  	[sflag:s22] =	ssyncset.done $0x0  }
0x63: {  	s31 =	sadd.s32 $0x2780, s26;
	[sflag:s22] =	ssyncadd.s32 $0xFFFFE000  }
0x64: {  	[spmem:s3] =	stream.indirect.scatter.add.f32 [tilespmem:s19], [sflag:$0x3], $0x40, s31, s20, $0xb8;
	[tilespmem:$0x1CF00] =	vst v63  }
0x65: {  	_ =	swait.ge [sflag:s15], $0x2000  }
0x66: {  	[sflag:s15] =	ssyncset.done $0x0  }
0x67: {  	s29 =	sadd.s32 $0x100, s26;
	[sflag:s15] =	ssyncadd.s32 $0xFFFFE000  }
0x68: {  	[tilespmem:s19], [sflag:$0x1] =	stream.indirect.gather [spmem:s2], $0x40, s29, s20, $0xb8;
	[tilespmem:$0x1CF00] =	vst v63  }
0x69: {  	_ =	swait.ge [sflag:s23], $0x2000  }
0x6a: {  	[sflag:s23] =	ssyncset.done $0x0  }
0x6b: {  	s30 =	sadd.s32 $0x2800, s26;
	[sflag:s23] =	ssyncadd.s32 $0xFFFFE000  }
0x6c: {  	[spmem:s3] =	stream.indirect.scatter.add.f32 [tilespmem:s21], [sflag:$0x3], $0x40, s30, s20, $0xb8;
	[tilespmem:$0x1CF00] =	vst v63  }
0x6d: {  	_ =	swait.ge [sflag:s15], $0x2000  }
0x6e: {  	[sflag:s15] =	ssyncset.done $0x0  }
0x6f: {  	[sflag:s15] =	ssyncadd.s32 $0xFFFFE000  }
0x70: {  	_ =	swait.ge [sflag:s22], $0x2000  }
0x71: {  	[sflag:s22] =	ssyncset.done $0x0  }
0x72: {  	[sflag:s22] =	ssyncadd.s32 $0xFFFFE000  }
0x73: {  	[spmem:s3] =	stream.indirect.scatter.add.f32 [tilespmem:s19], [sflag:$0x3], $0x40, s24, s20, $0xb8;
	[tilespmem:$0x1CF00] =	vst v63  }
0x74: {  	_ =	swait.ge [sflag:s15], $0x2000  }
0x75: {  	s25 =	sadd.s32 $0x1, s25;
	[sflag:s15] =	ssyncset.done $0x0  }
0x76: {  	p0 =	sne.s32 s25, s14;
	[sflag:s15] =	ssyncadd.s32 $0xFFFFE000  }
.Ltmp2:
0x77: {  	s31 =	sshrl.u32 s8, $0x3;
	[bflag:$0x0] =	sbarrier.arrive $0xFFFF;
	(pc) =	sbr.rel @p0 .LBB2_1-.Ltmp2, $4  }
0x78: {  	[hbm:s13], [sflag:s17] =	dma.local [spmem:s31], $0x1400  }
0x79: {  	_ =	swait.ge [sflag:s15], $0x1400  }
0x7a: {  	[sflag:s15] =	ssyncset.done $0x0  }
0x7b: {  	[sflag:s15] =	ssyncadd.s32 $0xFFFFEC00  }
0x7c: {  	_ =	sfence.sel $0x180000  }
0x7d: {  	[bflag:$0x0] =	sbarrier.arrive $0xFFFF  }
0x7e: {  	p0 =	sne.s32 s0, $0x0;
	_ =	strace $0x9000004A  }
0x7f: {  	s0 =	sadd.s32 @!p0 $0x100000, s1;
	[bflag:$0x2] =	sbarrier.arrive $0xFFFF  }
0x80: {  	[sflag:s0] =	ssyncadd.tile.s32 @!p0 $0x1;
	_ =	shalt  }
.Lfunc_end2:
_tile_overlayer_lowered:
.L_overlay_start_2:
0x81: {  	(tag) =	ssettag $0x2  }
0x82: {  	s0 =	rddreg [dreg:$0x0];
	s2 =	stileid.u32  }
0x83: {  	s1 =	rddreg [dreg:$0x1];
	p0 =	sne.s32 s2, $0x0  }
0x84: {  	s3 =	rddreg [dreg:$0x2];
	[bflag:$0x3] =	sbarrier.arrive $0xFFFF;
	s2 =	simm.s32 @!p0 $0x1C03  }
0x85: {  	[timem:s3], [sflag:s2] =	dma.local @!p0 [hbm:s0], s1  }
0x86: {  	s0 =	simm.s32 @!p0 $0x3  }
0x87: {  	_ =	swait.ge @!p0 [sflag:s0], s1  }
0x88: {  	s1 =	ssub.s32 @!p0 $0x0, s1;
	[sflag:s0] =	ssyncset.done @!p0 $0x0  }
0x89: {  	[sflag:s0] =	ssyncadd.s32 @!p0 s1  }
0x8a: {  	[bflag:$0x3] =	sbarrier.arrive $0xFFFF  }
0x8b: {  	_ =	shalt  }

</sc_bundles>
